<compile_context>
chip_gen: v7x
topology: tpu7x:2x2x1
jax: 0.10.2.dev20260603
libtpu: 0.0.44.dev20260713+nightly
codegen_flags: <defaults>
</compile_context>

<pallas_src>
import functools

import jax
import jax.numpy as jnp
from jax import lax
from jax.experimental import pallas as pl
from jax.experimental.pallas import tpu as pltpu
from jax.experimental.pallas import tpu_sc as plsc

_B, _C, _H, _W = 4, 96, 192, 192
_BC = _B * _C
_HW = _H * _W
_OUT = 4 * _HW
_NC, _NS = 2, 16
_NW = _NC * _NS
_PPW = _BC // _NW
_NSEG = 3
_SEG = _OUT // _NSEG
_L = 16

_mesh = plsc.VectorSubcoreMesh(core_axis_name="c", subcore_axis_name="s")


@functools.partial(
    pl.kernel,
    out_type=jax.ShapeDtypeStruct((_BC, _OUT), jnp.float32),
    mesh=_mesh,
    compiler_params=pltpu.CompilerParams(needs_layout_passes=False),
    scratch_types=[
        pltpu.VMEM((_HW,), jnp.int32),
        pltpu.VMEM((_HW,), jnp.float32),
        pltpu.VMEM((_SEG,), jnp.float32),
    ],
)
def _scatter_sorted(key_hbm, val_hbm, out_hbm, key_v, val_v, seg_v):
    wid = lax.axis_index("s") * _NC + lax.axis_index("c")

    def plane_body(p_i, carry):
        p = wid * _PPW + p_i
        pltpu.sync_copy(key_hbm.at[pl.ds(p * _HW, _HW)], key_v)
        pltpu.sync_copy(val_hbm.at[pl.ds(p * _HW, _HW)], val_v)
        plane_base = p * _OUT
        for s in range(_NSEG):
            base = plane_base + s * _SEG

            @plsc.parallel_loop(0, _SEG, step=_L, unroll=8)
            def _zero(i):
                seg_v[pl.ds(i, _L)] = jnp.zeros((_L,), jnp.float32)

            def scat(j, c):
                kv = key_v[pl.ds(j * _L, _L)]
                xv = val_v[pl.ds(j * _L, _L)]
                local = kv - base
                m = (local >= 0) & (local < _SEG)
                plsc.store_scatter(seg_v, [jnp.where(m, local, 0)], xv, mask=m)
                return c

            lax.fori_loop(0, _HW // _L, scat, 0, unroll=8)
            pltpu.sync_copy(seg_v, out_hbm.at[p, pl.ds(s * _SEG, _SEG)])
        return carry

    lax.fori_loop(0, _PPW, plane_body, 0)


def kernel(x, indices):
    idx2 = indices.reshape(_BC, _HW)
    keys = (idx2 + (jnp.arange(_BC, dtype=jnp.int32) * _OUT)[:, None]).reshape(-1)
    sk, sv = lax.sort((keys, x.reshape(-1)), dimension=0, num_keys=1,
                      is_stable=False)
    out = _scatter_sorted(sk, sv)
    return out.reshape(_B, _C, 2 * _H, 2 * _W)

# --- scband reference (transcript-rebuilt; emitter-appended) ---
"""Pipeline reference for scband-max-unpool-9182640079315 (READ-ONLY COPY).

The authoritative reference and input builder live on the scoring server;
editing this copy changes nothing except your own understanding.
"""

import jax, jax.numpy as jnp
import numpy as np

B, C, H, W = 4, 96, 192, 192
STRIDE = 2
H_OUT, W_OUT = H * STRIDE, W * STRIDE  # MaxUnpool2d(kernel_size=2, stride=2): out = in * 2


def setup_inputs(seed: int = 0) -> dict:
    key = jax.random.key(seed)
    k1, k2 = jax.random.split(key)
    x = jax.random.normal(k1, (B, C, H, W), dtype=jnp.float32)
    # indices are flat positions within each (b, c) output plane, values < H_OUT*W_OUT
    indices = jax.random.randint(k2, (B, C, H, W), 0, H_OUT * W_OUT, dtype=jnp.int32)
    return {"x": x, "indices": indices}


def reference(x, indices):
    # Faithful translation of nn.MaxUnpool2d(kernel_size=2, stride=2):
    # scatter each input value into a zero-initialized upsampled plane at the
    # flat spatial index recorded by the paired max-pool.
    bc = B * C
    x_flat = x.reshape(bc, H * W)
    idx_flat = indices.reshape(bc, H * W)
    out = jnp.zeros((bc, H_OUT * W_OUT), dtype=x.dtype)
    rows = jnp.arange(bc, dtype=jnp.int32)[:, None]
    out = out.at[rows, idx_flat].set(x_flat)  # scatter-overwrite
    return out.reshape(B, C, H_OUT, W_OUT)

if __name__ == "__main__":
    import jax
    _d = setup_inputs()
    print(jax.jit(kernel)(*tuple(_d.values())))

</pallas_src>

<mosaic_0001>
#map = affine_map<(d0, d1) -> (0)>
#map1 = affine_map<(d0, d1) -> (0, 0)>
module attributes {stable_mosaic.version = 14 : i64} {
  func.func @_scatter_sorted(%arg0: i32, %arg1: i32, %arg2: memref<14155776xi32, #tpu.memory_space<hbm>>, %arg3: memref<14155776xf32, #tpu.memory_space<hbm>>, %arg4: memref<384x147456xf32, #tpu.memory_space<hbm>>, %arg5: memref<36864xi32, #tpu.memory_space<vmem>>, %arg6: memref<36864xf32, #tpu.memory_space<vmem>>, %arg7: memref<49152xf32, #tpu.memory_space<vmem>>) attributes {dimension_semantics = [#tpu.dimension_semantics<core_parallel>, #tpu.dimension_semantics<subcore_parallel>], iteration_bounds = array<i64: 2, 16>, scalar_prefetch = 0 : i64, scratch_operands = 3 : i64, tpu.core_type = #tpu.core_type<sc_vector_subcore>, window_params = [{transform_indices = #map}, {transform_indices = #map}, {transform_indices = #map1}]} {
    %mul3A = arith.constant 2 : i32
    %mul3A_0 = arith.muli %arg1, %mul3A : i32
    %add3A = arith.addi %mul3A_0, %arg0 : i32
    %scan3A = arith.constant 0 : i32
    %scan3A_1 = arith.constant 0 : i32
    %scan3A_2 = arith.constant 12 : i32
    %scan3A_3 = arith.addi %scan3A_1, %scan3A_2 : i32
    %scan3A_4 = arith.constant 1 : i32
    scf.for %scan3A_6 = %scan3A_1 to %scan3A_3 step %scan3A_4  : i32 {
      %mul3A_7 = arith.constant 12 : i32
      %mul3A_8 = arith.muli %add3A, %mul3A_7 : i32
      %add3A_9 = arith.addi %mul3A_8, %scan3A_6 : i32
      %mul3A_10 = arith.constant 36864 : i32
      %mul3A_11 = arith.muli %add3A_9, %mul3A_10 : i32
      "tpu.region"() ({
        %run_scoped3A = tpu.sem_alloc : memref<!tpu.dma_semaphore, #tpu.memory_space<semaphore_mem>>
        %dma_start3A = tpu.memref_slice %arg2[%mul3A_11] : memref<14155776xi32, #tpu.memory_space<hbm>> -> memref<36864xi32, #tpu.memory_space<hbm>>
        %dma_start3A_48 = tpu.memref_slice %arg2[%mul3A_11] : memref<14155776xi32, #tpu.memory_space<hbm>> -> memref<36864xi32, #tpu.memory_space<hbm>>
        tpu.enqueue_dma source(%dma_start3A_48 : memref<36864xi32, #tpu.memory_space<hbm>>) target(%arg5 : memref<36864xi32, #tpu.memory_space<vmem>>) target_semaphore(%run_scoped3A : memref<!tpu.dma_semaphore, #tpu.memory_space<semaphore_mem>>)
        %dma_wait3A = tpu.memref_slice %arg2[%mul3A_11] : memref<14155776xi32, #tpu.memory_space<hbm>> -> memref<36864xi32, #tpu.memory_space<hbm>>
        %dma_wait3A_49 = tpu.memref_slice %arg2[%mul3A_11] : memref<14155776xi32, #tpu.memory_space<hbm>> -> memref<36864xi32, #tpu.memory_space<hbm>>
        tpu.wait_dma2 semaphore(%run_scoped3A : memref<!tpu.dma_semaphore, #tpu.memory_space<semaphore_mem>>) src(%dma_wait3A_49 : memref<36864xi32, #tpu.memory_space<hbm>>) dst(%arg5 : memref<36864xi32, #tpu.memory_space<vmem>>)
        tpu.yield
      }) : () -> ()
      %mul3A_12 = arith.constant 36864 : i32
      %mul3A_13 = arith.muli %add3A_9, %mul3A_12 : i32
      "tpu.region"() ({
        %run_scoped3A = tpu.sem_alloc : memref<!tpu.dma_semaphore, #tpu.memory_space<semaphore_mem>>
        %dma_start3A = tpu.memref_slice %arg3[%mul3A_13] : memref<14155776xf32, #tpu.memory_space<hbm>> -> memref<36864xf32, #tpu.memory_space<hbm>>
        %dma_start3A_48 = tpu.memref_slice %arg3[%mul3A_13] : memref<14155776xf32, #tpu.memory_space<hbm>> -> memref<36864xf32, #tpu.memory_space<hbm>>
        tpu.enqueue_dma source(%dma_start3A_48 : memref<36864xf32, #tpu.memory_space<hbm>>) target(%arg6 : memref<36864xf32, #tpu.memory_space<vmem>>) target_semaphore(%run_scoped3A : memref<!tpu.dma_semaphore, #tpu.memory_space<semaphore_mem>>)
        %dma_wait3A = tpu.memref_slice %arg3[%mul3A_13] : memref<14155776xf32, #tpu.memory_space<hbm>> -> memref<36864xf32, #tpu.memory_space<hbm>>
        %dma_wait3A_49 = tpu.memref_slice %arg3[%mul3A_13] : memref<14155776xf32, #tpu.memory_space<hbm>> -> memref<36864xf32, #tpu.memory_space<hbm>>
        tpu.wait_dma2 semaphore(%run_scoped3A : memref<!tpu.dma_semaphore, #tpu.memory_space<semaphore_mem>>) src(%dma_wait3A_49 : memref<36864xf32, #tpu.memory_space<hbm>>) dst(%arg6 : memref<36864xf32, #tpu.memory_space<vmem>>)
        tpu.yield
      }) : () -> ()
      %mul3A_14 = arith.constant 147456 : i32
      %mul3A_15 = arith.muli %add3A_9, %mul3A_14 : i32
      %add3A_16 = arith.constant 0 : i32
      %add3A_17 = arith.addi %mul3A_15, %add3A_16 : i32
      %parallel_loop3A = arith.constant 0 : i32
      %parallel_loop3A_18 = arith.constant 49152 : i32
      %parallel_loop3A_19 = arith.constant 16 : i32
      scf.for %parallel_loop3A_48 = %parallel_loop3A to %parallel_loop3A_18 step %parallel_loop3A_19  : i32 {
        %parallel_loop3A_49 = arith.constant 0.000000e+00 : f32
        %parallel_loop3A_50 = vector.broadcast %parallel_loop3A_49 : f32 to vector<16xf32>
        %parallel_loop3A_51 = arith.index_cast %parallel_loop3A_48 : i32 to index
        %parallel_loop3A_52 = tpu.vector_load %arg7[%parallel_loop3A_51] {strides = array<i32>} : memref<49152xf32, #tpu.memory_space<vmem>>, vector<16xf32>,
        tpu.vector_store %arg7[%parallel_loop3A_51], %parallel_loop3A_50 {strides = array<i32>} : memref<49152xf32, #tpu.memory_space<vmem>>, vector<16xf32>,
      } {sc.loop_unroll_factor = 8 : i64, sc.parallel_access}
      %scan3A_20 = arith.constant 0 : i32
      %scan3A_21 = arith.constant 0 : i32
      %scan3A_22 = arith.constant 2304 : i32
      %scan3A_23 = arith.addi %scan3A_21, %scan3A_22 : i32
      %scan3A_24 = arith.constant 8 : i32
      scf.for %scan3A_48 = %scan3A_21 to %scan3A_23 step %scan3A_24  : i32 {
        %mul3A_49 = arith.constant 16 : i32
        %mul3A_50 = arith.muli %scan3A_48, %mul3A_49 : i32
        %get3A = arith.index_cast %mul3A_50 : i32 to index
        %get3A_51 = tpu.vector_load %arg5[%get3A] {strides = array<i32>} : memref<36864xi32, #tpu.memory_space<vmem>>, vector<16xi32>,
        %mul3A_52 = arith.constant 16 : i32
        %mul3A_53 = arith.muli %scan3A_48, %mul3A_52 : i32
        %get3A_54 = arith.index_cast %mul3A_53 : i32 to index
        %get3A_55 = tpu.vector_load %arg6[%get3A_54] {strides = array<i32>} : memref<36864xf32, #tpu.memory_space<vmem>>, vector<16xf32>,
        %sub3A = vector.broadcast %add3A_17 : i32 to vector<16xi32>
        %sub3A_56 = arith.subi %get3A_51, %sub3A : vector<16xi32>
        %ge3A = arith.constant 0 : i32
        %ge3A_57 = vector.broadcast %ge3A : i32 to vector<16xi32>
        %ge3A_58 = arith.cmpi sge, %sub3A_56, %ge3A_57 : vector<16xi32>
        %lt3A = arith.constant 49152 : i32
        %lt3A_59 = vector.broadcast %lt3A : i32 to vector<16xi32>
        %lt3A_60 = arith.cmpi slt, %sub3A_56, %lt3A_59 : vector<16xi32>
        %and3A = arith.andi %ge3A_58, %lt3A_60 : vector<16xi1>
        %jit3A = arith.constant 0 : i32
        %broadcast_in_dim3A = vector.broadcast %jit3A : i32 to vector<16xi32>
        %select_n3A = arith.select %and3A, %sub3A_56, %broadcast_in_dim3A : vector<16xi1>, vector<16xi32>
        tpu.vector_store_idx %arg7[%select_n3A], %get3A_55 masked %and3A : memref<49152xf32, #tpu.memory_space<vmem>>[vector<16xi32>], vector<16xf32>, vector<16xi1>
        %scan3A_61 = arith.constant 1 : i32
        %scan3A_62 = arith.addi %scan3A_48, %scan3A_61 : i32
        %mul3A_63 = arith.constant 16 : i32
        %mul3A_64 = arith.muli %scan3A_62, %mul3A_63 : i32
        %get3A_65 = arith.index_cast %mul3A_64 : i32 to index
        %get3A_66 = tpu.vector_load %arg5[%get3A_65] {strides = array<i32>} : memref<36864xi32, #tpu.memory_space<vmem>>, vector<16xi32>,
        %mul3A_67 = arith.constant 16 : i32
        %mul3A_68 = arith.muli %scan3A_62, %mul3A_67 : i32
        %get3A_69 = arith.index_cast %mul3A_68 : i32 to index
        %get3A_70 = tpu.vector_load %arg6[%get3A_69] {strides = array<i32>} : memref<36864xf32, #tpu.memory_space<vmem>>, vector<16xf32>,
        %sub3A_71 = vector.broadcast %add3A_17 : i32 to vector<16xi32>
        %sub3A_72 = arith.subi %get3A_66, %sub3A_71 : vector<16xi32>
        %ge3A_73 = arith.constant 0 : i32
        %ge3A_74 = vector.broadcast %ge3A_73 : i32 to vector<16xi32>
        %ge3A_75 = arith.cmpi sge, %sub3A_72, %ge3A_74 : vector<16xi32>
        %lt3A_76 = arith.constant 49152 : i32
        %lt3A_77 = vector.broadcast %lt3A_76 : i32 to vector<16xi32>
        %lt3A_78 = arith.cmpi slt, %sub3A_72, %lt3A_77 : vector<16xi32>
        %and3A_79 = arith.andi %ge3A_75, %lt3A_78 : vector<16xi1>
        %jit3A_80 = arith.constant 0 : i32
        %broadcast_in_dim3A_81 = vector.broadcast %jit3A_80 : i32 to vector<16xi32>
        %select_n3A_82 = arith.select %and3A_79, %sub3A_72, %broadcast_in_dim3A_81 : vector<16xi1>, vector<16xi32>
        tpu.vector_store_idx %arg7[%select_n3A_82], %get3A_70 masked %and3A_79 : memref<49152xf32, #tpu.memory_space<vmem>>[vector<16xi32>], vector<16xf32>, vector<16xi1>
        %scan3A_83 = arith.constant 2 : i32
        %scan3A_84 = arith.addi %scan3A_48, %scan3A_83 : i32
        %mul3A_85 = arith.constant 16 : i32
        %mul3A_86 = arith.muli %scan3A_84, %mul3A_85 : i32
        %get3A_87 = arith.index_cast %mul3A_86 : i32 to index
        %get3A_88 = tpu.vector_load %arg5[%get3A_87] {strides = array<i32>} : memref<36864xi32, #tpu.memory_space<vmem>>, vector<16xi32>,
        %mul3A_89 = arith.constant 16 : i32
        %mul3A_90 = arith.muli %scan3A_84, %mul3A_89 : i32
        %get3A_91 = arith.index_cast %mul3A_90 : i32 to index
        %get3A_92 = tpu.vector_load %arg6[%get3A_91] {strides = array<i32>} : memref<36864xf32, #tpu.memory_space<vmem>>, vector<16xf32>,
        %sub3A_93 = vector.broadcast %add3A_17 : i32 to vector<16xi32>
        %sub3A_94 = arith.subi %get3A_88, %sub3A_93 : vector<16xi32>
        %ge3A_95 = arith.constant 0 : i32
        %ge3A_96 = vector.broadcast %ge3A_95 : i32 to vector<16xi32>
        %ge3A_97 = arith.cmpi sge, %sub3A_94, %ge3A_96 : vector<16xi32>
        %lt3A_98 = arith.constant 49152 : i32
        %lt3A_99 = vector.broadcast %lt3A_98 : i32 to vector<16xi32>
        %lt3A_100 = arith.cmpi slt, %sub3A_94, %lt3A_99 : vector<16xi32>
        %and3A_101 = arith.andi %ge3A_97, %lt3A_100 : vector<16xi1>
        %jit3A_102 = arith.constant 0 : i32
        %broadcast_in_dim3A_103 = vector.broadcast %jit3A_102 : i32 to vector<16xi32>
        %select_n3A_104 = arith.select %and3A_101, %sub3A_94, %broadcast_in_dim3A_103 : vector<16xi1>, vector<16xi32>
        tpu.vector_store_idx %arg7[%select_n3A_104], %get3A_92 masked %and3A_101 : memref<49152xf32, #tpu.memory_space<vmem>>[vector<16xi32>], vector<16xf32>, vector<16xi1>
        %scan3A_105 = arith.constant 3 : i32
        %scan3A_106 = arith.addi %scan3A_48, %scan3A_105 : i32
        %mul3A_107 = arith.constant 16 : i32
        %mul3A_108 = arith.muli %scan3A_106, %mul3A_107 : i32
        %get3A_109 = arith.index_cast %mul3A_108 : i32 to index
        %get3A_110 = tpu.vector_load %arg5[%get3A_109] {strides = array<i32>} : memref<36864xi32, #tpu.memory_space<vmem>>, vector<16xi32>,
        %mul3A_111 = arith.constant 16 : i32
        %mul3A_112 = arith.muli %scan3A_106, %mul3A_111 : i32
        %get3A_113 = arith.index_cast %mul3A_112 : i32 to index
        %get3A_114 = tpu.vector_load %arg6[%get3A_113] {strides = array<i32>} : memref<36864xf32, #tpu.memory_space<vmem>>, vector<16xf32>,
        %sub3A_115 = vector.broadcast %add3A_17 : i32 to vector<16xi32>
        %sub3A_116 = arith.subi %get3A_110, %sub3A_115 : vector<16xi32>
        %ge3A_117 = arith.constant 0 : i32
        %ge3A_118 = vector.broadcast %ge3A_117 : i32 to vector<16xi32>
        %ge3A_119 = arith.cmpi sge, %sub3A_116, %ge3A_118 : vector<16xi32>
        %lt3A_120 = arith.constant 49152 : i32
        %lt3A_121 = vector.broadcast %lt3A_120 : i32 to vector<16xi32>
        %lt3A_122 = arith.cmpi slt, %sub3A_116, %lt3A_121 : vector<16xi32>
        %and3A_123 = arith.andi %ge3A_119, %lt3A_122 : vector<16xi1>
        %jit3A_124 = arith.constant 0 : i32
        %broadcast_in_dim3A_125 = vector.broadcast %jit3A_124 : i32 to vector<16xi32>
        %select_n3A_126 = arith.select %and3A_123, %sub3A_116, %broadcast_in_dim3A_125 : vector<16xi1>, vector<16xi32>
        tpu.vector_store_idx %arg7[%select_n3A_126], %get3A_114 masked %and3A_123 : memref<49152xf32, #tpu.memory_space<vmem>>[vector<16xi32>], vector<16xf32>, vector<16xi1>
        %scan3A_127 = arith.constant 4 : i32
        %scan3A_128 = arith.addi %scan3A_48, %scan3A_127 : i32
        %mul3A_129 = arith.constant 16 : i32
        %mul3A_130 = arith.muli %scan3A_128, %mul3A_129 : i32
        %get3A_131 = arith.index_cast %mul3A_130 : i32 to index
        %get3A_132 = tpu.vector_load %arg5[%get3A_131] {strides = array<i32>} : memref<36864xi32, #tpu.memory_space<vmem>>, vector<16xi32>,
        %mul3A_133 = arith.constant 16 : i32
        %mul3A_134 = arith.muli %scan3A_128, %mul3A_133 : i32
        %get3A_135 = arith.index_cast %mul3A_134 : i32 to index
        %get3A_136 = tpu.vector_load %arg6[%get3A_135] {strides = array<i32>} : memref<36864xf32, #tpu.memory_space<vmem>>, vector<16xf32>,
        %sub3A_137 = vector.broadcast %add3A_17 : i32 to vector<16xi32>
        %sub3A_138 = arith.subi %get3A_132, %sub3A_137 : vector<16xi32>
        %ge3A_139 = arith.constant 0 : i32
        %ge3A_140 = vector.broadcast %ge3A_139 : i32 to vector<16xi32>
        %ge3A_141 = arith.cmpi sge, %sub3A_138, %ge3A_140 : vector<16xi32>
        %lt3A_142 = arith.constant 49152 : i32
        %lt3A_143 = vector.broadcast %lt3A_142 : i32 to vector<16xi32>
        %lt3A_144 = arith.cmpi slt, %sub3A_138, %lt3A_143 : vector<16xi32>
        %and3A_145 = arith.andi %ge3A_141, %lt3A_144 : vector<16xi1>
        %jit3A_146 = arith.constant 0 : i32
        %broadcast_in_dim3A_147 = vector.broadcast %jit3A_146 : i32 to vector<16xi32>
        %select_n3A_148 = arith.select %and3A_145, %sub3A_138, %broadcast_in_dim3A_147 : vector<16xi1>, vector<16xi32>
        tpu.vector_store_idx %arg7[%select_n3A_148], %get3A_136 masked %and3A_145 : memref<49152xf32, #tpu.memory_space<vmem>>[vector<16xi32>], vector<16xf32>, vector<16xi1>
        %scan3A_149 = arith.constant 5 : i32
        %scan3A_150 = arith.addi %scan3A_48, %scan3A_149 : i32
        %mul3A_151 = arith.constant 16 : i32
        %mul3A_152 = arith.muli %scan3A_150, %mul3A_151 : i32
        %get3A_153 = arith.index_cast %mul3A_152 : i32 to index
        %get3A_154 = tpu.vector_load %arg5[%get3A_153] {strides = array<i32>} : memref<36864xi32, #tpu.memory_space<vmem>>, vector<16xi32>,
        %mul3A_155 = arith.constant 16 : i32
        %mul3A_156 = arith.muli %scan3A_150, %mul3A_155 : i32
        %get3A_157 = arith.index_cast %mul3A_156 : i32 to index
        %get3A_158 = tpu.vector_load %arg6[%get3A_157] {strides = array<i32>} : memref<36864xf32, #tpu.memory_space<vmem>>, vector<16xf32>,
        %sub3A_159 = vector.broadcast %add3A_17 : i32 to vector<16xi32>
        %sub3A_160 = arith.subi %get3A_154, %sub3A_159 : vector<16xi32>
        %ge3A_161 = arith.constant 0 : i32
        %ge3A_162 = vector.broadcast %ge3A_161 : i32 to vector<16xi32>
        %ge3A_163 = arith.cmpi sge, %sub3A_160, %ge3A_162 : vector<16xi32>
        %lt3A_164 = arith.constant 49152 : i32
        %lt3A_165 = vector.broadcast %lt3A_164 : i32 to vector<16xi32>
        %lt3A_166 = arith.cmpi slt, %sub3A_160, %lt3A_165 : vector<16xi32>
        %and3A_167 = arith.andi %ge3A_163, %lt3A_166 : vector<16xi1>
        %jit3A_168 = arith.constant 0 : i32
        %broadcast_in_dim3A_169 = vector.broadcast %jit3A_168 : i32 to vector<16xi32>
        %select_n3A_170 = arith.select %and3A_167, %sub3A_160, %broadcast_in_dim3A_169 : vector<16xi1>, vector<16xi32>
        tpu.vector_store_idx %arg7[%select_n3A_170], %get3A_158 masked %and3A_167 : memref<49152xf32, #tpu.memory_space<vmem>>[vector<16xi32>], vector<16xf32>, vector<16xi1>
        %scan3A_171 = arith.constant 6 : i32
        %scan3A_172 = arith.addi %scan3A_48, %scan3A_171 : i32
        %mul3A_173 = arith.constant 16 : i32
        %mul3A_174 = arith.muli %scan3A_172, %mul3A_173 : i32
        %get3A_175 = arith.index_cast %mul3A_174 : i32 to index
        %get3A_176 = tpu.vector_load %arg5[%get3A_175] {strides = array<i32>} : memref<36864xi32, #tpu.memory_space<vmem>>, vector<16xi32>,
        %mul3A_177 = arith.constant 16 : i32
        %mul3A_178 = arith.muli %scan3A_172, %mul3A_177 : i32
        %get3A_179 = arith.index_cast %mul3A_178 : i32 to index
        %get3A_180 = tpu.vector_load %arg6[%get3A_179] {strides = array<i32>} : memref<36864xf32, #tpu.memory_space<vmem>>, vector<16xf32>,
        %sub3A_181 = vector.broadcast %add3A_17 : i32 to vector<16xi32>
        %sub3A_182 = arith.subi %get3A_176, %sub3A_181 : vector<16xi32>
        %ge3A_183 = arith.constant 0 : i32
        %ge3A_184 = vector.broadcast %ge3A_183 : i32 to vector<16xi32>
        %ge3A_185 = arith.cmpi sge, %sub3A_182, %ge3A_184 : vector<16xi32>
        %lt3A_186 = arith.constant 49152 : i32
        %lt3A_187 = vector.broadcast %lt3A_186 : i32 to vector<16xi32>
        %lt3A_188 = arith.cmpi slt, %sub3A_182, %lt3A_187 : vector<16xi32>
        %and3A_189 = arith.andi %ge3A_185, %lt3A_188 : vector<16xi1>
        %jit3A_190 = arith.constant 0 : i32
        %broadcast_in_dim3A_191 = vector.broadcast %jit3A_190 : i32 to vector<16xi32>
        %select_n3A_192 = arith.select %and3A_189, %sub3A_182, %broadcast_in_dim3A_191 : vector<16xi1>, vector<16xi32>
        tpu.vector_store_idx %arg7[%select_n3A_192], %get3A_180 masked %and3A_189 : memref<49152xf32, #tpu.memory_space<vmem>>[vector<16xi32>], vector<16xf32>, vector<16xi1>
        %scan3A_193 = arith.constant 7 : i32
        %scan3A_194 = arith.addi %scan3A_48, %scan3A_193 : i32
        %mul3A_195 = arith.constant 16 : i32
        %mul3A_196 = arith.muli %scan3A_194, %mul3A_195 : i32
        %get3A_197 = arith.index_cast %mul3A_196 : i32 to index
        %get3A_198 = tpu.vector_load %arg5[%get3A_197] {strides = array<i32>} : memref<36864xi32, #tpu.memory_space<vmem>>, vector<16xi32>,
        %mul3A_199 = arith.constant 16 : i32
        %mul3A_200 = arith.muli %scan3A_194, %mul3A_199 : i32
        %get3A_201 = arith.index_cast %mul3A_200 : i32 to index
        %get3A_202 = tpu.vector_load %arg6[%get3A_201] {strides = array<i32>} : memref<36864xf32, #tpu.memory_space<vmem>>, vector<16xf32>,
        %sub3A_203 = vector.broadcast %add3A_17 : i32 to vector<16xi32>
        %sub3A_204 = arith.subi %get3A_198, %sub3A_203 : vector<16xi32>
        %ge3A_205 = arith.constant 0 : i32
        %ge3A_206 = vector.broadcast %ge3A_205 : i32 to vector<16xi32>
        %ge3A_207 = arith.cmpi sge, %sub3A_204, %ge3A_206 : vector<16xi32>
        %lt3A_208 = arith.constant 49152 : i32
        %lt3A_209 = vector.broadcast %lt3A_208 : i32 to vector<16xi32>
        %lt3A_210 = arith.cmpi slt, %sub3A_204, %lt3A_209 : vector<16xi32>
        %and3A_211 = arith.andi %ge3A_207, %lt3A_210 : vector<16xi1>
        %jit3A_212 = arith.constant 0 : i32
        %broadcast_in_dim3A_213 = vector.broadcast %jit3A_212 : i32 to vector<16xi32>
        %select_n3A_214 = arith.select %and3A_211, %sub3A_204, %broadcast_in_dim3A_213 : vector<16xi1>, vector<16xi32>
        tpu.vector_store_idx %arg7[%select_n3A_214], %get3A_202 masked %and3A_211 : memref<49152xf32, #tpu.memory_space<vmem>>[vector<16xi32>], vector<16xf32>, vector<16xi1>
      }
      %scan3A_25 = arith.constant 2304 : i32
      "tpu.region"() ({
        %run_scoped3A = tpu.sem_alloc : memref<!tpu.dma_semaphore, #tpu.memory_space<semaphore_mem>>
        %dma_start3A = arith.constant 0 : i32
        %dma_start3A_48 = tpu.memref_slice %arg4[%add3A_9, %dma_start3A] : memref<384x147456xf32, #tpu.memory_space<hbm>> -> memref<1x49152xf32, #tpu.memory_space<hbm>>
        %dma_start3A_49 = tpu.memref_squeeze %dma_start3A_48 : memref<1x49152xf32, #tpu.memory_space<hbm>> -> memref<49152xf32, #tpu.memory_space<hbm>>
        %dma_start3A_50 = arith.constant 0 : i32
        %dma_start3A_51 = tpu.memref_slice %arg4[%add3A_9, %dma_start3A_50] : memref<384x147456xf32, #tpu.memory_space<hbm>> -> memref<1x49152xf32, #tpu.memory_space<hbm>>
        %dma_start3A_52 = tpu.memref_squeeze %dma_start3A_51 : memref<1x49152xf32, #tpu.memory_space<hbm>> -> memref<49152xf32, #tpu.memory_space<hbm>>
        tpu.enqueue_dma source(%arg7 : memref<49152xf32, #tpu.memory_space<vmem>>) target(%dma_start3A_52 : memref<49152xf32, #tpu.memory_space<hbm>>) target_semaphore(%run_scoped3A : memref<!tpu.dma_semaphore, #tpu.memory_space<semaphore_mem>>)
        %dma_wait3A = arith.constant 0 : i32
        %dma_wait3A_53 = tpu.memref_slice %arg4[%add3A_9, %dma_wait3A] : memref<384x147456xf32, #tpu.memory_space<hbm>> -> memref<1x49152xf32, #tpu.memory_space<hbm>>
        %dma_wait3A_54 = tpu.memref_squeeze %dma_wait3A_53 : memref<1x49152xf32, #tpu.memory_space<hbm>> -> memref<49152xf32, #tpu.memory_space<hbm>>
        %dma_wait3A_55 = arith.constant 0 : i32
        %dma_wait3A_56 = tpu.memref_slice %arg4[%add3A_9, %dma_wait3A_55] : memref<384x147456xf32, #tpu.memory_space<hbm>> -> memref<1x49152xf32, #tpu.memory_space<hbm>>
        %dma_wait3A_57 = tpu.memref_squeeze %dma_wait3A_56 : memref<1x49152xf32, #tpu.memory_space<hbm>> -> memref<49152xf32, #tpu.memory_space<hbm>>
        tpu.wait_dma2 semaphore(%run_scoped3A : memref<!tpu.dma_semaphore, #tpu.memory_space<semaphore_mem>>) src(%arg7 : memref<49152xf32, #tpu.memory_space<vmem>>) dst(%dma_wait3A_57 : memref<49152xf32, #tpu.memory_space<hbm>>)
        tpu.yield
      }) : () -> ()
      %add3A_26 = arith.constant 49152 : i32
      %add3A_27 = arith.addi %mul3A_15, %add3A_26 : i32
      %parallel_loop3A_28 = arith.constant 0 : i32
      %parallel_loop3A_29 = arith.constant 49152 : i32
      %parallel_loop3A_30 = arith.constant 16 : i32
      scf.for %parallel_loop3A_48 = %parallel_loop3A_28 to %parallel_loop3A_29 step %parallel_loop3A_30  : i32 {
        %parallel_loop3A_49 = arith.constant 0.000000e+00 : f32
        %parallel_loop3A_50 = vector.broadcast %parallel_loop3A_49 : f32 to vector<16xf32>
        %parallel_loop3A_51 = arith.index_cast %parallel_loop3A_48 : i32 to index
        %parallel_loop3A_52 = tpu.vector_load %arg7[%parallel_loop3A_51] {strides = array<i32>} : memref<49152xf32, #tpu.memory_space<vmem>>, vector<16xf32>,
        tpu.vector_store %arg7[%parallel_loop3A_51], %parallel_loop3A_50 {strides = array<i32>} : memref<49152xf32, #tpu.memory_space<vmem>>, vector<16xf32>,
      } {sc.loop_unroll_factor = 8 : i64, sc.parallel_access}
      %scan3A_31 = arith.constant 0 : i32
      %scan3A_32 = arith.constant 0 : i32
      %scan3A_33 = arith.constant 2304 : i32
      %scan3A_34 = arith.addi %scan3A_32, %scan3A_33 : i32
      %scan3A_35 = arith.constant 8 : i32
      scf.for %scan3A_48 = %scan3A_32 to %scan3A_34 step %scan3A_35  : i32 {
        %mul3A_49 = arith.constant 16 : i32
        %mul3A_50 = arith.muli %scan3A_48, %mul3A_49 : i32
        %get3A = arith.index_cast %mul3A_50 : i32 to index
        %get3A_51 = tpu.vector_load %arg5[%get3A] {strides = array<i32>} : memref<36864xi32, #tpu.memory_space<vmem>>, vector<16xi32>,
        %mul3A_52 = arith.constant 16 : i32
        %mul3A_53 = arith.muli %scan3A_48, %mul3A_52 : i32
        %get3A_54 = arith.index_cast %mul3A_53 : i32 to index
        %get3A_55 = tpu.vector_load %arg6[%get3A_54] {strides = array<i32>} : memref<36864xf32, #tpu.memory_space<vmem>>, vector<16xf32>,
        %sub3A = vector.broadcast %add3A_27 : i32 to vector<16xi32>
        %sub3A_56 = arith.subi %get3A_51, %sub3A : vector<16xi32>
        %ge3A = arith.constant 0 : i32
        %ge3A_57 = vector.broadcast %ge3A : i32 to vector<16xi32>
        %ge3A_58 = arith.cmpi sge, %sub3A_56, %ge3A_57 : vector<16xi32>
        %lt3A = arith.constant 49152 : i32
        %lt3A_59 = vector.broadcast %lt3A : i32 to vector<16xi32>
        %lt3A_60 = arith.cmpi slt, %sub3A_56, %lt3A_59 : vector<16xi32>
        %and3A = arith.andi %ge3A_58, %lt3A_60 : vector<16xi1>
        %jit3A = arith.constant 0 : i32
        %broadcast_in_dim3A = vector.broadcast %jit3A : i32 to vector<16xi32>
        %select_n3A = arith.select %and3A, %sub3A_56, %broadcast_in_dim3A : vector<16xi1>, vector<16xi32>
        tpu.vector_store_idx %arg7[%select_n3A], %get3A_55 masked %and3A : memref<49152xf32, #tpu.memory_space<vmem>>[vector<16xi32>], vector<16xf32>, vector<16xi1>
        %scan3A_61 = arith.constant 1 : i32
        %scan3A_62 = arith.addi %scan3A_48, %scan3A_61 : i32
        %mul3A_63 = arith.constant 16 : i32
        %mul3A_64 = arith.muli %scan3A_62, %mul3A_63 : i32
        %get3A_65 = arith.index_cast %mul3A_64 : i32 to index
        %get3A_66 = tpu.vector_load %arg5[%get3A_65] {strides = array<i32>} : memref<36864xi32, #tpu.memory_space<vmem>>, vector<16xi32>,
        %mul3A_67 = arith.constant 16 : i32
        %mul3A_68 = arith.muli %scan3A_62, %mul3A_67 : i32
        %get3A_69 = arith.index_cast %mul3A_68 : i32 to index
        %get3A_70 = tpu.vector_load %arg6[%get3A_69] {strides = array<i32>} : memref<36864xf32, #tpu.memory_space<vmem>>, vector<16xf32>,
        %sub3A_71 = vector.broadcast %add3A_27 : i32 to vector<16xi32>
        %sub3A_72 = arith.subi %get3A_66, %sub3A_71 : vector<16xi32>
        %ge3A_73 = arith.constant 0 : i32
        %ge3A_74 = vector.broadcast %ge3A_73 : i32 to vector<16xi32>
        %ge3A_75 = arith.cmpi sge, %sub3A_72, %ge3A_74 : vector<16xi32>
        %lt3A_76 = arith.constant 49152 : i32
        %lt3A_77 = vector.broadcast %lt3A_76 : i32 to vector<16xi32>
        %lt3A_78 = arith.cmpi slt, %sub3A_72, %lt3A_77 : vector<16xi32>
        %and3A_79 = arith.andi %ge3A_75, %lt3A_78 : vector<16xi1>
        %jit3A_80 = arith.constant 0 : i32
        %broadcast_in_dim3A_81 = vector.broadcast %jit3A_80 : i32 to vector<16xi32>
        %select_n3A_82 = arith.select %and3A_79, %sub3A_72, %broadcast_in_dim3A_81 : vector<16xi1>, vector<16xi32>
        tpu.vector_store_idx %arg7[%select_n3A_82], %get3A_70 masked %and3A_79 : memref<49152xf32, #tpu.memory_space<vmem>>[vector<16xi32>], vector<16xf32>, vector<16xi1>
        %scan3A_83 = arith.constant 2 : i32
        %scan3A_84 = arith.addi %scan3A_48, %scan3A_83 : i32
        %mul3A_85 = arith.constant 16 : i32
        %mul3A_86 = arith.muli %scan3A_84, %mul3A_85 : i32
        %get3A_87 = arith.index_cast %mul3A_86 : i32 to index
        %get3A_88 = tpu.vector_load %arg5[%get3A_87] {strides = array<i32>} : memref<36864xi32, #tpu.memory_space<vmem>>, vector<16xi32>,
        %mul3A_89 = arith.constant 16 : i32
        %mul3A_90 = arith.muli %scan3A_84, %mul3A_89 : i32
        %get3A_91 = arith.index_cast %mul3A_90 : i32 to index
        %get3A_92 = tpu.vector_load %arg6[%get3A_91] {strides = array<i32>} : memref<36864xf32, #tpu.memory_space<vmem>>, vector<16xf32>,
        %sub3A_93 = vector.broadcast %add3A_27 : i32 to vector<16xi32>
        %sub3A_94 = arith.subi %get3A_88, %sub3A_93 : vector<16xi32>
        %ge3A_95 = arith.constant 0 : i32
        %ge3A_96 = vector.broadcast %ge3A_95 : i32 to vector<16xi32>
        %ge3A_97 = arith.cmpi sge, %sub3A_94, %ge3A_96 : vector<16xi32>
        %lt3A_98 = arith.constant 49152 : i32
        %lt3A_99 = vector.broadcast %lt3A_98 : i32 to vector<16xi32>
        %lt3A_100 = arith.cmpi slt, %sub3A_94, %lt3A_99 : vector<16xi32>
        %and3A_101 = arith.andi %ge3A_97, %lt3A_100 : vector<16xi1>
        %jit3A_102 = arith.constant 0 : i32
        %broadcast_in_dim3A_103 = vector.broadcast %jit3A_102 : i32 to vector<16xi32>
        %select_n3A_104 = arith.select %and3A_101, %sub3A_94, %broadcast_in_dim3A_103 : vector<16xi1>, vector<16xi32>
        tpu.vector_store_idx %arg7[%select_n3A_104], %get3A_92 masked %and3A_101 : memref<49152xf32, #tpu.memory_space<vmem>>[vector<16xi32>], vector<16xf32>, vector<16xi1>
        %scan3A_105 = arith.constant 3 : i32
        %scan3A_106 = arith.addi %scan3A_48, %scan3A_105 : i32
        %mul3A_107 = arith.constant 16 : i32
        %mul3A_108 = arith.muli %scan3A_106, %mul3A_107 : i32
        %get3A_109 = arith.index_cast %mul3A_108 : i32 to index
        %get3A_110 = tpu.vector_load %arg5[%get3A_109] {strides = array<i32>} : memref<36864xi32, #tpu.memory_space<vmem>>, vector<16xi32>,
        %mul3A_111 = arith.constant 16 : i32
        %mul3A_112 = arith.muli %scan3A_106, %mul3A_111 : i32
        %get3A_113 = arith.index_cast %mul3A_112 : i32 to index
        %get3A_114 = tpu.vector_load %arg6[%get3A_113] {strides = array<i32>} : memref<36864xf32, #tpu.memory_space<vmem>>, vector<16xf32>,
        %sub3A_115 = vector.broadcast %add3A_27 : i32 to vector<16xi32>
        %sub3A_116 = arith.subi %get3A_110, %sub3A_115 : vector<16xi32>
        %ge3A_117 = arith.constant 0 : i32
        %ge3A_118 = vector.broadcast %ge3A_117 : i32 to vector<16xi32>
        %ge3A_119 = arith.cmpi sge, %sub3A_116, %ge3A_118 : vector<16xi32>
        %lt3A_120 = arith.constant 49152 : i32
        %lt3A_121 = vector.broadcast %lt3A_120 : i32 to vector<16xi32>
        %lt3A_122 = arith.cmpi slt, %sub3A_116, %lt3A_121 : vector<16xi32>
        %and3A_123 = arith.andi %ge3A_119, %lt3A_122 : vector<16xi1>
        %jit3A_124 = arith.constant 0 : i32
        %broadcast_in_dim3A_125 = vector.broadcast %jit3A_124 : i32 to vector<16xi32>
        %select_n3A_126 = arith.select %and3A_123, %sub3A_116, %broadcast_in_dim3A_125 : vector<16xi1>, vector<16xi32>
        tpu.vector_store_idx %arg7[%select_n3A_126], %get3A_114 masked %and3A_123 : memref<49152xf32, #tpu.memory_space<vmem>>[vector<16xi32>], vector<16xf32>, vector<16xi1>
        %scan3A_127 = arith.constant 4 : i32
        %scan3A_128 = arith.addi %scan3A_48, %scan3A_127 : i32
        %mul3A_129 = arith.constant 16 : i32
        %mul3A_130 = arith.muli %scan3A_128, %mul3A_129 : i32
        %get3A_131 = arith.index_cast %mul3A_130 : i32 to index
        %get3A_132 = tpu.vector_load %arg5[%get3A_131] {strides = array<i32>} : memref<36864xi32, #tpu.memory_space<vmem>>, vector<16xi32>,
        %mul3A_133 = arith.constant 16 : i32
        %mul3A_134 = arith.muli %scan3A_128, %mul3A_133 : i32
        %get3A_135 = arith.index_cast %mul3A_134 : i32 to index
        %get3A_136 = tpu.vector_load %arg6[%get3A_135] {strides = array<i32>} : memref<36864xf32, #tpu.memory_space<vmem>>, vector<16xf32>,
        %sub3A_137 = vector.broadcast %add3A_27 : i32 to vector<16xi32>
        %sub3A_138 = arith.subi %get3A_132, %sub3A_137 : vector<16xi32>
        %ge3A_139 = arith.constant 0 : i32
        %ge3A_140 = vector.broadcast %ge3A_139 : i32 to vector<16xi32>
        %ge3A_141 = arith.cmpi sge, %sub3A_138, %ge3A_140 : vector<16xi32>
        %lt3A_142 = arith.constant 49152 : i32
        %lt3A_143 = vector.broadcast %lt3A_142 : i32 to vector<16xi32>
        %lt3A_144 = arith.cmpi slt, %sub3A_138, %lt3A_143 : vector<16xi32>
        %and3A_145 = arith.andi %ge3A_141, %lt3A_144 : vector<16xi1>
        %jit3A_146 = arith.constant 0 : i32
        %broadcast_in_dim3A_147 = vector.broadcast %jit3A_146 : i32 to vector<16xi32>
        %select_n3A_148 = arith.select %and3A_145, %sub3A_138, %broadcast_in_dim3A_147 : vector<16xi1>, vector<16xi32>
        tpu.vector_store_idx %arg7[%select_n3A_148], %get3A_136 masked %and3A_145 : memref<49152xf32, #tpu.memory_space<vmem>>[vector<16xi32>], vector<16xf32>, vector<16xi1>
        %scan3A_149 = arith.constant 5 : i32
        %scan3A_150 = arith.addi %scan3A_48, %scan3A_149 : i32
        %mul3A_151 = arith.constant 16 : i32
        %mul3A_152 = arith.muli %scan3A_150, %mul3A_151 : i32
        %get3A_153 = arith.index_cast %mul3A_152 : i32 to index
        %get3A_154 = tpu.vector_load %arg5[%get3A_153] {strides = array<i32>} : memref<36864xi32, #tpu.memory_space<vmem>>, vector<16xi32>,
        %mul3A_155 = arith.constant 16 : i32
        %mul3A_156 = arith.muli %scan3A_150, %mul3A_155 : i32
        %get3A_157 = arith.index_cast %mul3A_156 : i32 to index
        %get3A_158 = tpu.vector_load %arg6[%get3A_157] {strides = array<i32>} : memref<36864xf32, #tpu.memory_space<vmem>>, vector<16xf32>,
        %sub3A_159 = vector.broadcast %add3A_27 : i32 to vector<16xi32>
        %sub3A_160 = arith.subi %get3A_154, %sub3A_159 : vector<16xi32>
        %ge3A_161 = arith.constant 0 : i32
        %ge3A_162 = vector.broadcast %ge3A_161 : i32 to vector<16xi32>
        %ge3A_163 = arith.cmpi sge, %sub3A_160, %ge3A_162 : vector<16xi32>
        %lt3A_164 = arith.constant 49152 : i32
        %lt3A_165 = vector.broadcast %lt3A_164 : i32 to vector<16xi32>
        %lt3A_166 = arith.cmpi slt, %sub3A_160, %lt3A_165 : vector<16xi32>
        %and3A_167 = arith.andi %ge3A_163, %lt3A_166 : vector<16xi1>
        %jit3A_168 = arith.constant 0 : i32
        %broadcast_in_dim3A_169 = vector.broadcast %jit3A_168 : i32 to vector<16xi32>
        %select_n3A_170 = arith.select %and3A_167, %sub3A_160, %broadcast_in_dim3A_169 : vector<16xi1>, vector<16xi32>
        tpu.vector_store_idx %arg7[%select_n3A_170], %get3A_158 masked %and3A_167 : memref<49152xf32, #tpu.memory_space<vmem>>[vector<16xi32>], vector<16xf32>, vector<16xi1>
        %scan3A_171 = arith.constant 6 : i32
        %scan3A_172 = arith.addi %scan3A_48, %scan3A_171 : i32
        %mul3A_173 = arith.constant 16 : i32
        %mul3A_174 = arith.muli %scan3A_172, %mul3A_173 : i32
        %get3A_175 = arith.index_cast %mul3A_174 : i32 to index
        %get3A_176 = tpu.vector_load %arg5[%get3A_175] {strides = array<i32>} : memref<36864xi32, #tpu.memory_space<vmem>>, vector<16xi32>,
        %mul3A_177 = arith.constant 16 : i32
        %mul3A_178 = arith.muli %scan3A_172, %mul3A_177 : i32
        %get3A_179 = arith.index_cast %mul3A_178 : i32 to index
        %get3A_180 = tpu.vector_load %arg6[%get3A_179] {strides = array<i32>} : memref<36864xf32, #tpu.memory_space<vmem>>, vector<16xf32>,
        %sub3A_181 = vector.broadcast %add3A_27 : i32 to vector<16xi32>
        %sub3A_182 = arith.subi %get3A_176, %sub3A_181 : vector<16xi32>
        %ge3A_183 = arith.constant 0 : i32
        %ge3A_184 = vector.broadcast %ge3A_183 : i32 to vector<16xi32>
        %ge3A_185 = arith.cmpi sge, %sub3A_182, %ge3A_184 : vector<16xi32>
        %lt3A_186 = arith.constant 49152 : i32
        %lt3A_187 = vector.broadcast %lt3A_186 : i32 to vector<16xi32>
        %lt3A_188 = arith.cmpi slt, %sub3A_182, %lt3A_187 : vector<16xi32>
        %and3A_189 = arith.andi %ge3A_185, %lt3A_188 : vector<16xi1>
        %jit3A_190 = arith.constant 0 : i32
        %broadcast_in_dim3A_191 = vector.broadcast %jit3A_190 : i32 to vector<16xi32>
        %select_n3A_192 = arith.select %and3A_189, %sub3A_182, %broadcast_in_dim3A_191 : vector<16xi1>, vector<16xi32>
        tpu.vector_store_idx %arg7[%select_n3A_192], %get3A_180 masked %and3A_189 : memref<49152xf32, #tpu.memory_space<vmem>>[vector<16xi32>], vector<16xf32>, vector<16xi1>
        %scan3A_193 = arith.constant 7 : i32
        %scan3A_194 = arith.addi %scan3A_48, %scan3A_193 : i32
        %mul3A_195 = arith.constant 16 : i32
        %mul3A_196 = arith.muli %scan3A_194, %mul3A_195 : i32
        %get3A_197 = arith.index_cast %mul3A_196 : i32 to index
        %get3A_198 = tpu.vector_load %arg5[%get3A_197] {strides = array<i32>} : memref<36864xi32, #tpu.memory_space<vmem>>, vector<16xi32>,
        %mul3A_199 = arith.constant 16 : i32
        %mul3A_200 = arith.muli %scan3A_194, %mul3A_199 : i32
        %get3A_201 = arith.index_cast %mul3A_200 : i32 to index
        %get3A_202 = tpu.vector_load %arg6[%get3A_201] {strides = array<i32>} : memref<36864xf32, #tpu.memory_space<vmem>>, vector<16xf32>,
        %sub3A_203 = vector.broadcast %add3A_27 : i32 to vector<16xi32>
        %sub3A_204 = arith.subi %get3A_198, %sub3A_203 : vector<16xi32>
        %ge3A_205 = arith.constant 0 : i32
        %ge3A_206 = vector.broadcast %ge3A_205 : i32 to vector<16xi32>
        %ge3A_207 = arith.cmpi sge, %sub3A_204, %ge3A_206 : vector<16xi32>
        %lt3A_208 = arith.constant 49152 : i32
        %lt3A_209 = vector.broadcast %lt3A_208 : i32 to vector<16xi32>
        %lt3A_210 = arith.cmpi slt, %sub3A_204, %lt3A_209 : vector<16xi32>
        %and3A_211 = arith.andi %ge3A_207, %lt3A_210 : vector<16xi1>
        %jit3A_212 = arith.constant 0 : i32
        %broadcast_in_dim3A_213 = vector.broadcast %jit3A_212 : i32 to vector<16xi32>
        %select_n3A_214 = arith.select %and3A_211, %sub3A_204, %broadcast_in_dim3A_213 : vector<16xi1>, vector<16xi32>
        tpu.vector_store_idx %arg7[%select_n3A_214], %get3A_202 masked %and3A_211 : memref<49152xf32, #tpu.memory_space<vmem>>[vector<16xi32>], vector<16xf32>, vector<16xi1>
      }
      %scan3A_36 = arith.constant 2304 : i32
      "tpu.region"() ({
        %run_scoped3A = tpu.sem_alloc : memref<!tpu.dma_semaphore, #tpu.memory_space<semaphore_mem>>
        %dma_start3A = arith.constant 49152 : i32
        %dma_start3A_48 = tpu.memref_slice %arg4[%add3A_9, %dma_start3A] : memref<384x147456xf32, #tpu.memory_space<hbm>> -> memref<1x49152xf32, #tpu.memory_space<hbm>>
        %dma_start3A_49 = tpu.memref_squeeze %dma_start3A_48 : memref<1x49152xf32, #tpu.memory_space<hbm>> -> memref<49152xf32, #tpu.memory_space<hbm>>
        %dma_start3A_50 = arith.constant 49152 : i32
        %dma_start3A_51 = tpu.memref_slice %arg4[%add3A_9, %dma_start3A_50] : memref<384x147456xf32, #tpu.memory_space<hbm>> -> memref<1x49152xf32, #tpu.memory_space<hbm>>
        %dma_start3A_52 = tpu.memref_squeeze %dma_start3A_51 : memref<1x49152xf32, #tpu.memory_space<hbm>> -> memref<49152xf32, #tpu.memory_space<hbm>>
        tpu.enqueue_dma source(%arg7 : memref<49152xf32, #tpu.memory_space<vmem>>) target(%dma_start3A_52 : memref<49152xf32, #tpu.memory_space<hbm>>) target_semaphore(%run_scoped3A : memref<!tpu.dma_semaphore, #tpu.memory_space<semaphore_mem>>)
        %dma_wait3A = arith.constant 49152 : i32
        %dma_wait3A_53 = tpu.memref_slice %arg4[%add3A_9, %dma_wait3A] : memref<384x147456xf32, #tpu.memory_space<hbm>> -> memref<1x49152xf32, #tpu.memory_space<hbm>>
        %dma_wait3A_54 = tpu.memref_squeeze %dma_wait3A_53 : memref<1x49152xf32, #tpu.memory_space<hbm>> -> memref<49152xf32, #tpu.memory_space<hbm>>
        %dma_wait3A_55 = arith.constant 49152 : i32
        %dma_wait3A_56 = tpu.memref_slice %arg4[%add3A_9, %dma_wait3A_55] : memref<384x147456xf32, #tpu.memory_space<hbm>> -> memref<1x49152xf32, #tpu.memory_space<hbm>>
        %dma_wait3A_57 = tpu.memref_squeeze %dma_wait3A_56 : memref<1x49152xf32, #tpu.memory_space<hbm>> -> memref<49152xf32, #tpu.memory_space<hbm>>
        tpu.wait_dma2 semaphore(%run_scoped3A : memref<!tpu.dma_semaphore, #tpu.memory_space<semaphore_mem>>) src(%arg7 : memref<49152xf32, #tpu.memory_space<vmem>>) dst(%dma_wait3A_57 : memref<49152xf32, #tpu.memory_space<hbm>>)
        tpu.yield
      }) : () -> ()
      %add3A_37 = arith.constant 98304 : i32
      %add3A_38 = arith.addi %mul3A_15, %add3A_37 : i32
      %parallel_loop3A_39 = arith.constant 0 : i32
      %parallel_loop3A_40 = arith.constant 49152 : i32
      %parallel_loop3A_41 = arith.constant 16 : i32
      scf.for %parallel_loop3A_48 = %parallel_loop3A_39 to %parallel_loop3A_40 step %parallel_loop3A_41  : i32 {
        %parallel_loop3A_49 = arith.constant 0.000000e+00 : f32
        %parallel_loop3A_50 = vector.broadcast %parallel_loop3A_49 : f32 to vector<16xf32>
        %parallel_loop3A_51 = arith.index_cast %parallel_loop3A_48 : i32 to index
        %parallel_loop3A_52 = tpu.vector_load %arg7[%parallel_loop3A_51] {strides = array<i32>} : memref<49152xf32, #tpu.memory_space<vmem>>, vector<16xf32>,
        tpu.vector_store %arg7[%parallel_loop3A_51], %parallel_loop3A_50 {strides = array<i32>} : memref<49152xf32, #tpu.memory_space<vmem>>, vector<16xf32>,
      } {sc.loop_unroll_factor = 8 : i64, sc.parallel_access}
      %scan3A_42 = arith.constant 0 : i32
      %scan3A_43 = arith.constant 0 : i32
      %scan3A_44 = arith.constant 2304 : i32
      %scan3A_45 = arith.addi %scan3A_43, %scan3A_44 : i32
      %scan3A_46 = arith.constant 8 : i32
      scf.for %scan3A_48 = %scan3A_43 to %scan3A_45 step %scan3A_46  : i32 {
        %mul3A_49 = arith.constant 16 : i32
        %mul3A_50 = arith.muli %scan3A_48, %mul3A_49 : i32
        %get3A = arith.index_cast %mul3A_50 : i32 to index
        %get3A_51 = tpu.vector_load %arg5[%get3A] {strides = array<i32>} : memref<36864xi32, #tpu.memory_space<vmem>>, vector<16xi32>,
        %mul3A_52 = arith.constant 16 : i32
        %mul3A_53 = arith.muli %scan3A_48, %mul3A_52 : i32
        %get3A_54 = arith.index_cast %mul3A_53 : i32 to index
        %get3A_55 = tpu.vector_load %arg6[%get3A_54] {strides = array<i32>} : memref<36864xf32, #tpu.memory_space<vmem>>, vector<16xf32>,
        %sub3A = vector.broadcast %add3A_38 : i32 to vector<16xi32>
        %sub3A_56 = arith.subi %get3A_51, %sub3A : vector<16xi32>
        %ge3A = arith.constant 0 : i32
        %ge3A_57 = vector.broadcast %ge3A : i32 to vector<16xi32>
        %ge3A_58 = arith.cmpi sge, %sub3A_56, %ge3A_57 : vector<16xi32>
        %lt3A = arith.constant 49152 : i32
        %lt3A_59 = vector.broadcast %lt3A : i32 to vector<16xi32>
        %lt3A_60 = arith.cmpi slt, %sub3A_56, %lt3A_59 : vector<16xi32>
        %and3A = arith.andi %ge3A_58, %lt3A_60 : vector<16xi1>
        %jit3A = arith.constant 0 : i32
        %broadcast_in_dim3A = vector.broadcast %jit3A : i32 to vector<16xi32>
        %select_n3A = arith.select %and3A, %sub3A_56, %broadcast_in_dim3A : vector<16xi1>, vector<16xi32>
        tpu.vector_store_idx %arg7[%select_n3A], %get3A_55 masked %and3A : memref<49152xf32, #tpu.memory_space<vmem>>[vector<16xi32>], vector<16xf32>, vector<16xi1>
        %scan3A_61 = arith.constant 1 : i32
        %scan3A_62 = arith.addi %scan3A_48, %scan3A_61 : i32
        %mul3A_63 = arith.constant 16 : i32
        %mul3A_64 = arith.muli %scan3A_62, %mul3A_63 : i32
        %get3A_65 = arith.index_cast %mul3A_64 : i32 to index
        %get3A_66 = tpu.vector_load %arg5[%get3A_65] {strides = array<i32>} : memref<36864xi32, #tpu.memory_space<vmem>>, vector<16xi32>,
        %mul3A_67 = arith.constant 16 : i32
        %mul3A_68 = arith.muli %scan3A_62, %mul3A_67 : i32
        %get3A_69 = arith.index_cast %mul3A_68 : i32 to index
        %get3A_70 = tpu.vector_load %arg6[%get3A_69] {strides = array<i32>} : memref<36864xf32, #tpu.memory_space<vmem>>, vector<16xf32>,
        %sub3A_71 = vector.broadcast %add3A_38 : i32 to vector<16xi32>
        %sub3A_72 = arith.subi %get3A_66, %sub3A_71 : vector<16xi32>
        %ge3A_73 = arith.constant 0 : i32
        %ge3A_74 = vector.broadcast %ge3A_73 : i32 to vector<16xi32>
        %ge3A_75 = arith.cmpi sge, %sub3A_72, %ge3A_74 : vector<16xi32>
        %lt3A_76 = arith.constant 49152 : i32
        %lt3A_77 = vector.broadcast %lt3A_76 : i32 to vector<16xi32>
        %lt3A_78 = arith.cmpi slt, %sub3A_72, %lt3A_77 : vector<16xi32>
        %and3A_79 = arith.andi %ge3A_75, %lt3A_78 : vector<16xi1>
        %jit3A_80 = arith.constant 0 : i32
        %broadcast_in_dim3A_81 = vector.broadcast %jit3A_80 : i32 to vector<16xi32>
        %select_n3A_82 = arith.select %and3A_79, %sub3A_72, %broadcast_in_dim3A_81 : vector<16xi1>, vector<16xi32>
        tpu.vector_store_idx %arg7[%select_n3A_82], %get3A_70 masked %and3A_79 : memref<49152xf32, #tpu.memory_space<vmem>>[vector<16xi32>], vector<16xf32>, vector<16xi1>
        %scan3A_83 = arith.constant 2 : i32
        %scan3A_84 = arith.addi %scan3A_48, %scan3A_83 : i32
        %mul3A_85 = arith.constant 16 : i32
        %mul3A_86 = arith.muli %scan3A_84, %mul3A_85 : i32
        %get3A_87 = arith.index_cast %mul3A_86 : i32 to index
        %get3A_88 = tpu.vector_load %arg5[%get3A_87] {strides = array<i32>} : memref<36864xi32, #tpu.memory_space<vmem>>, vector<16xi32>,
        %mul3A_89 = arith.constant 16 : i32
        %mul3A_90 = arith.muli %scan3A_84, %mul3A_89 : i32
        %get3A_91 = arith.index_cast %mul3A_90 : i32 to index
        %get3A_92 = tpu.vector_load %arg6[%get3A_91] {strides = array<i32>} : memref<36864xf32, #tpu.memory_space<vmem>>, vector<16xf32>,
        %sub3A_93 = vector.broadcast %add3A_38 : i32 to vector<16xi32>
        %sub3A_94 = arith.subi %get3A_88, %sub3A_93 : vector<16xi32>
        %ge3A_95 = arith.constant 0 : i32
        %ge3A_96 = vector.broadcast %ge3A_95 : i32 to vector<16xi32>
        %ge3A_97 = arith.cmpi sge, %sub3A_94, %ge3A_96 : vector<16xi32>
        %lt3A_98 = arith.constant 49152 : i32
        %lt3A_99 = vector.broadcast %lt3A_98 : i32 to vector<16xi32>
        %lt3A_100 = arith.cmpi slt, %sub3A_94, %lt3A_99 : vector<16xi32>
        %and3A_101 = arith.andi %ge3A_97, %lt3A_100 : vector<16xi1>
        %jit3A_102 = arith.constant 0 : i32
        %broadcast_in_dim3A_103 = vector.broadcast %jit3A_102 : i32 to vector<16xi32>
        %select_n3A_104 = arith.select %and3A_101, %sub3A_94, %broadcast_in_dim3A_103 : vector<16xi1>, vector<16xi32>
        tpu.vector_store_idx %arg7[%select_n3A_104], %get3A_92 masked %and3A_101 : memref<49152xf32, #tpu.memory_space<vmem>>[vector<16xi32>], vector<16xf32>, vector<16xi1>
        %scan3A_105 = arith.constant 3 : i32
        %scan3A_106 = arith.addi %scan3A_48, %scan3A_105 : i32
        %mul3A_107 = arith.constant 16 : i32
        %mul3A_108 = arith.muli %scan3A_106, %mul3A_107 : i32
        %get3A_109 = arith.index_cast %mul3A_108 : i32 to index
        %get3A_110 = tpu.vector_load %arg5[%get3A_109] {strides = array<i32>} : memref<36864xi32, #tpu.memory_space<vmem>>, vector<16xi32>,
        %mul3A_111 = arith.constant 16 : i32
        %mul3A_112 = arith.muli %scan3A_106, %mul3A_111 : i32
        %get3A_113 = arith.index_cast %mul3A_112 : i32 to index
        %get3A_114 = tpu.vector_load %arg6[%get3A_113] {strides = array<i32>} : memref<36864xf32, #tpu.memory_space<vmem>>, vector<16xf32>,
        %sub3A_115 = vector.broadcast %add3A_38 : i32 to vector<16xi32>
        %sub3A_116 = arith.subi %get3A_110, %sub3A_115 : vector<16xi32>
        %ge3A_117 = arith.constant 0 : i32
        %ge3A_118 = vector.broadcast %ge3A_117 : i32 to vector<16xi32>
        %ge3A_119 = arith.cmpi sge, %sub3A_116, %ge3A_118 : vector<16xi32>
        %lt3A_120 = arith.constant 49152 : i32
        %lt3A_121 = vector.broadcast %lt3A_120 : i32 to vector<16xi32>
        %lt3A_122 = arith.cmpi slt, %sub3A_116, %lt3A_121 : vector<16xi32>
        %and3A_123 = arith.andi %ge3A_119, %lt3A_122 : vector<16xi1>
        %jit3A_124 = arith.constant 0 : i32
        %broadcast_in_dim3A_125 = vector.broadcast %jit3A_124 : i32 to vector<16xi32>
        %select_n3A_126 = arith.select %and3A_123, %sub3A_116, %broadcast_in_dim3A_125 : vector<16xi1>, vector<16xi32>
        tpu.vector_store_idx %arg7[%select_n3A_126], %get3A_114 masked %and3A_123 : memref<49152xf32, #tpu.memory_space<vmem>>[vector<16xi32>], vector<16xf32>, vector<16xi1>
        %scan3A_127 = arith.constant 4 : i32
        %scan3A_128 = arith.addi %scan3A_48, %scan3A_127 : i32
        %mul3A_129 = arith.constant 16 : i32
        %mul3A_130 = arith.muli %scan3A_128, %mul3A_129 : i32
        %get3A_131 = arith.index_cast %mul3A_130 : i32 to index
        %get3A_132 = tpu.vector_load %arg5[%get3A_131] {strides = array<i32>} : memref<36864xi32, #tpu.memory_space<vmem>>, vector<16xi32>,
        %mul3A_133 = arith.constant 16 : i32
        %mul3A_134 = arith.muli %scan3A_128, %mul3A_133 : i32
        %get3A_135 = arith.index_cast %mul3A_134 : i32 to index
        %get3A_136 = tpu.vector_load %arg6[%get3A_135] {strides = array<i32>} : memref<36864xf32, #tpu.memory_space<vmem>>, vector<16xf32>,
        %sub3A_137 = vector.broadcast %add3A_38 : i32 to vector<16xi32>
        %sub3A_138 = arith.subi %get3A_132, %sub3A_137 : vector<16xi32>
        %ge3A_139 = arith.constant 0 : i32
        %ge3A_140 = vector.broadcast %ge3A_139 : i32 to vector<16xi32>
        %ge3A_141 = arith.cmpi sge, %sub3A_138, %ge3A_140 : vector<16xi32>
        %lt3A_142 = arith.constant 49152 : i32
        %lt3A_143 = vector.broadcast %lt3A_142 : i32 to vector<16xi32>
        %lt3A_144 = arith.cmpi slt, %sub3A_138, %lt3A_143 : vector<16xi32>
        %and3A_145 = arith.andi %ge3A_141, %lt3A_144 : vector<16xi1>
        %jit3A_146 = arith.constant 0 : i32
        %broadcast_in_dim3A_147 = vector.broadcast %jit3A_146 : i32 to vector<16xi32>
        %select_n3A_148 = arith.select %and3A_145, %sub3A_138, %broadcast_in_dim3A_147 : vector<16xi1>, vector<16xi32>
        tpu.vector_store_idx %arg7[%select_n3A_148], %get3A_136 masked %and3A_145 : memref<49152xf32, #tpu.memory_space<vmem>>[vector<16xi32>], vector<16xf32>, vector<16xi1>
        %scan3A_149 = arith.constant 5 : i32
        %scan3A_150 = arith.addi %scan3A_48, %scan3A_149 : i32
        %mul3A_151 = arith.constant 16 : i32
        %mul3A_152 = arith.muli %scan3A_150, %mul3A_151 : i32
        %get3A_153 = arith.index_cast %mul3A_152 : i32 to index
        %get3A_154 = tpu.vector_load %arg5[%get3A_153] {strides = array<i32>} : memref<36864xi32, #tpu.memory_space<vmem>>, vector<16xi32>,
        %mul3A_155 = arith.constant 16 : i32
        %mul3A_156 = arith.muli %scan3A_150, %mul3A_155 : i32
        %get3A_157 = arith.index_cast %mul3A_156 : i32 to index
        %get3A_158 = tpu.vector_load %arg6[%get3A_157] {strides = array<i32>} : memref<36864xf32, #tpu.memory_space<vmem>>, vector<16xf32>,
        %sub3A_159 = vector.broadcast %add3A_38 : i32 to vector<16xi32>
        %sub3A_160 = arith.subi %get3A_154, %sub3A_159 : vector<16xi32>
        %ge3A_161 = arith.constant 0 : i32
        %ge3A_162 = vector.broadcast %ge3A_161 : i32 to vector<16xi32>
        %ge3A_163 = arith.cmpi sge, %sub3A_160, %ge3A_162 : vector<16xi32>
        %lt3A_164 = arith.constant 49152 : i32
        %lt3A_165 = vector.broadcast %lt3A_164 : i32 to vector<16xi32>
        %lt3A_166 = arith.cmpi slt, %sub3A_160, %lt3A_165 : vector<16xi32>
        %and3A_167 = arith.andi %ge3A_163, %lt3A_166 : vector<16xi1>
        %jit3A_168 = arith.constant 0 : i32
        %broadcast_in_dim3A_169 = vector.broadcast %jit3A_168 : i32 to vector<16xi32>
        %select_n3A_170 = arith.select %and3A_167, %sub3A_160, %broadcast_in_dim3A_169 : vector<16xi1>, vector<16xi32>
        tpu.vector_store_idx %arg7[%select_n3A_170], %get3A_158 masked %and3A_167 : memref<49152xf32, #tpu.memory_space<vmem>>[vector<16xi32>], vector<16xf32>, vector<16xi1>
        %scan3A_171 = arith.constant 6 : i32
        %scan3A_172 = arith.addi %scan3A_48, %scan3A_171 : i32
        %mul3A_173 = arith.constant 16 : i32
        %mul3A_174 = arith.muli %scan3A_172, %mul3A_173 : i32
        %get3A_175 = arith.index_cast %mul3A_174 : i32 to index
        %get3A_176 = tpu.vector_load %arg5[%get3A_175] {strides = array<i32>} : memref<36864xi32, #tpu.memory_space<vmem>>, vector<16xi32>,
        %mul3A_177 = arith.constant 16 : i32
        %mul3A_178 = arith.muli %scan3A_172, %mul3A_177 : i32
        %get3A_179 = arith.index_cast %mul3A_178 : i32 to index
        %get3A_180 = tpu.vector_load %arg6[%get3A_179] {strides = array<i32>} : memref<36864xf32, #tpu.memory_space<vmem>>, vector<16xf32>,
        %sub3A_181 = vector.broadcast %add3A_38 : i32 to vector<16xi32>
        %sub3A_182 = arith.subi %get3A_176, %sub3A_181 : vector<16xi32>
        %ge3A_183 = arith.constant 0 : i32
        %ge3A_184 = vector.broadcast %ge3A_183 : i32 to vector<16xi32>
        %ge3A_185 = arith.cmpi sge, %sub3A_182, %ge3A_184 : vector<16xi32>
        %lt3A_186 = arith.constant 49152 : i32
        %lt3A_187 = vector.broadcast %lt3A_186 : i32 to vector<16xi32>
        %lt3A_188 = arith.cmpi slt, %sub3A_182, %lt3A_187 : vector<16xi32>
        %and3A_189 = arith.andi %ge3A_185, %lt3A_188 : vector<16xi1>
        %jit3A_190 = arith.constant 0 : i32
        %broadcast_in_dim3A_191 = vector.broadcast %jit3A_190 : i32 to vector<16xi32>
        %select_n3A_192 = arith.select %and3A_189, %sub3A_182, %broadcast_in_dim3A_191 : vector<16xi1>, vector<16xi32>
        tpu.vector_store_idx %arg7[%select_n3A_192], %get3A_180 masked %and3A_189 : memref<49152xf32, #tpu.memory_space<vmem>>[vector<16xi32>], vector<16xf32>, vector<16xi1>
        %scan3A_193 = arith.constant 7 : i32
        %scan3A_194 = arith.addi %scan3A_48, %scan3A_193 : i32
        %mul3A_195 = arith.constant 16 : i32
        %mul3A_196 = arith.muli %scan3A_194, %mul3A_195 : i32
        %get3A_197 = arith.index_cast %mul3A_196 : i32 to index
        %get3A_198 = tpu.vector_load %arg5[%get3A_197] {strides = array<i32>} : memref<36864xi32, #tpu.memory_space<vmem>>, vector<16xi32>,
        %mul3A_199 = arith.constant 16 : i32
        %mul3A_200 = arith.muli %scan3A_194, %mul3A_199 : i32
        %get3A_201 = arith.index_cast %mul3A_200 : i32 to index
        %get3A_202 = tpu.vector_load %arg6[%get3A_201] {strides = array<i32>} : memref<36864xf32, #tpu.memory_space<vmem>>, vector<16xf32>,
        %sub3A_203 = vector.broadcast %add3A_38 : i32 to vector<16xi32>
        %sub3A_204 = arith.subi %get3A_198, %sub3A_203 : vector<16xi32>
        %ge3A_205 = arith.constant 0 : i32
        %ge3A_206 = vector.broadcast %ge3A_205 : i32 to vector<16xi32>
        %ge3A_207 = arith.cmpi sge, %sub3A_204, %ge3A_206 : vector<16xi32>
        %lt3A_208 = arith.constant 49152 : i32
        %lt3A_209 = vector.broadcast %lt3A_208 : i32 to vector<16xi32>
        %lt3A_210 = arith.cmpi slt, %sub3A_204, %lt3A_209 : vector<16xi32>
        %and3A_211 = arith.andi %ge3A_207, %lt3A_210 : vector<16xi1>
        %jit3A_212 = arith.constant 0 : i32
        %broadcast_in_dim3A_213 = vector.broadcast %jit3A_212 : i32 to vector<16xi32>
        %select_n3A_214 = arith.select %and3A_211, %sub3A_204, %broadcast_in_dim3A_213 : vector<16xi1>, vector<16xi32>
        tpu.vector_store_idx %arg7[%select_n3A_214], %get3A_202 masked %and3A_211 : memref<49152xf32, #tpu.memory_space<vmem>>[vector<16xi32>], vector<16xf32>, vector<16xi1>
      }
      %scan3A_47 = arith.constant 2304 : i32
      "tpu.region"() ({
        %run_scoped3A = tpu.sem_alloc : memref<!tpu.dma_semaphore, #tpu.memory_space<semaphore_mem>>
        %dma_start3A = arith.constant 98304 : i32
        %dma_start3A_48 = tpu.memref_slice %arg4[%add3A_9, %dma_start3A] : memref<384x147456xf32, #tpu.memory_space<hbm>> -> memref<1x49152xf32, #tpu.memory_space<hbm>>
        %dma_start3A_49 = tpu.memref_squeeze %dma_start3A_48 : memref<1x49152xf32, #tpu.memory_space<hbm>> -> memref<49152xf32, #tpu.memory_space<hbm>>
        %dma_start3A_50 = arith.constant 98304 : i32
        %dma_start3A_51 = tpu.memref_slice %arg4[%add3A_9, %dma_start3A_50] : memref<384x147456xf32, #tpu.memory_space<hbm>> -> memref<1x49152xf32, #tpu.memory_space<hbm>>
        %dma_start3A_52 = tpu.memref_squeeze %dma_start3A_51 : memref<1x49152xf32, #tpu.memory_space<hbm>> -> memref<49152xf32, #tpu.memory_space<hbm>>
        tpu.enqueue_dma source(%arg7 : memref<49152xf32, #tpu.memory_space<vmem>>) target(%dma_start3A_52 : memref<49152xf32, #tpu.memory_space<hbm>>) target_semaphore(%run_scoped3A : memref<!tpu.dma_semaphore, #tpu.memory_space<semaphore_mem>>)
        %dma_wait3A = arith.constant 98304 : i32
        %dma_wait3A_53 = tpu.memref_slice %arg4[%add3A_9, %dma_wait3A] : memref<384x147456xf32, #tpu.memory_space<hbm>> -> memref<1x49152xf32, #tpu.memory_space<hbm>>
        %dma_wait3A_54 = tpu.memref_squeeze %dma_wait3A_53 : memref<1x49152xf32, #tpu.memory_space<hbm>> -> memref<49152xf32, #tpu.memory_space<hbm>>
        %dma_wait3A_55 = arith.constant 98304 : i32
        %dma_wait3A_56 = tpu.memref_slice %arg4[%add3A_9, %dma_wait3A_55] : memref<384x147456xf32, #tpu.memory_space<hbm>> -> memref<1x49152xf32, #tpu.memory_space<hbm>>
        %dma_wait3A_57 = tpu.memref_squeeze %dma_wait3A_56 : memref<1x49152xf32, #tpu.memory_space<hbm>> -> memref<49152xf32, #tpu.memory_space<hbm>>
        tpu.wait_dma2 semaphore(%run_scoped3A : memref<!tpu.dma_semaphore, #tpu.memory_space<semaphore_mem>>) src(%arg7 : memref<49152xf32, #tpu.memory_space<vmem>>) dst(%dma_wait3A_57 : memref<49152xf32, #tpu.memory_space<hbm>>)
        tpu.yield
      }) : () -> ()
    }
    %scan3A_5 = arith.constant 12 : i32
    return
  }
}

</mosaic_0001>

<sc_bundles>
// kernel: kernel.3.cloned.1.call-start
scs
__scs_entry_jumppad:
0x0: {  	(pc) =	sbr.rel $0x88, $3  }
0x1: {  	(tag) =	ssettag $0x0;
	lr =	simm.s32 $0x1  }
0x2: {  	[smem:$0x3F9F] =	sst lr;
	_ =	strace $0xD0000000  }
0x3: {  	_ = 	snop  }
0x4: {  	_ = 	snop  }
0x5: {  	_ = 	snop  }
0x6: {  	_ = 	snop  }
0x7: {  	_ = 	snop  }
__scs_overlays_trampoline_lowered:
0x8: {  	[smem:$0x3FAE] =	sst s0  }
0x9: {  	[smem:$0x3FAF] =	sst s1  }
0xa: {  	[smem:$0x3FB0] =	sst s2  }
0xb: {  	[smem:$0x3FB1] =	sst s3  }
0xc: {  	[smem:$0x3FB2] =	sst s4  }
0xd: {  	[smem:$0x3FB3] =	sst s5  }
0xe: {  	[smem:$0x3FB4] =	sst s6  }
0xf: {  	[smem:$0x3FB5] =	sst s7  }
0x10: {  	[smem:$0x3FB6] =	sst s8  }
0x11: {  	[smem:$0x3FB7] =	sst s9;
	s0 =	simm.s32 @!p0 $0x0  }
0x12: {  	s1 =	sld [smem:$0x3F9D];
	s0 =	simm.s32 @p0 $0x1  }
0x13: {  	[smem:$0x3FB8] =	sst s0;
	s0 =	simm.s32 @!p1 $0x0  }
0x14: {  	s2 =	sld [smem:$0x3F9C];
	s0 =	simm.s32 @p1 $0x1  }
0x15: {  	[smem:$0x3FB9] =	sst s0;
	s0 =	simm.s32 @!p2 $0x0  }
0x16: {  	s3 =	sld [smem:$0x3FDB];
	s0 =	simm.s32 @p2 $0x1  }
0x17: {  	s4 =	simm.s32 $0x1BF5;
	[smem:$0x3FBB] =	sst s0  }
0x18: {  	s0 =	sld [smem:$0x3F9E];
	_ =	swait.ge [sflag:s4], $0x0  }
0x19: {  	s7 =	sld [smem:$0x3F9F]  }
0x1a: {  	s8 =	sadd.s32 $0xFFFFE003, lr  }
0x1b: {  	s9 =	sadd.s32 $0xFFFFFEF7, lr;
	s5 =	simm.s32 $0xFFFFFFFF;
	p2 =	slt.u32 s8, $0xFFFFF086  }
0x1c: {  	p1 =	slt.u32 s9, $0xF7A;
	s5 =	simm.s32 @!p2 $0x0  }
0x1d: {  	s5 =	simm.s32 @p1 $0x1;
	p0 =	seq.s32 s7, s2  }
0x1e: {  	s7 =	smul.u32 @!p0 $0xF7A, s2;
	p2 =	seq.s32 @!p0 s5, $0x0  }
0x1f: {  	s9 =	smul.u32 $0xF7A, s1;
	s8 =	simm.s32 @!p0 $0x1BF5;
	p2 =	por !p2, p0  }
0x20: {  	[sflag:s8] =	ssyncset.s32 @!p0 $0xFFFFF086;
	s6 =	sadd.s32 @!p0 s3, s7;
	s7 =	simm.s32 @!p0 $0x108  }
0x21: {  	s3 =	sadd.s32 s3, s9;
	s6 =	sadd.s32 @!p0 $0x88, s6;
	s7 =	simm.s32 @p2 $0x1082  }
0x22: {  	[simem:s7], [sflag:s8] =	dma.local @!p0 [hbm:s6], $0xF7A  }
0x23: {  	s9 =	sor.u32 $0xD0000000, s2;
	s6 =	simm.s32 $0x108;
	_ =	swait.ge @!p0 [sflag:s8], $0x0  }
0x24: {  	s3 =	sadd.s32 $0x88, s3;
	s6 =	simm.s32 @!p1 $0x1082;
	[sflag:s4] =	ssyncset.s32 $0xFFFFF086  }
0x25: {  	[simem:s6], [sflag:s4] =	dma.local [hbm:s3], $0xF7A  }
0x26: {  	[smem:$0x3F9F] =	sst s1;
	(tag) =	ssettag s2;
	_ =	strace s9  }
0x27: {  	s1 =	sld [smem:$0x3FAF]  }
0x28: {  	s2 =	sld [smem:$0x3FB0]  }
0x29: {  	s4 =	sld [smem:$0x3FB2]  }
0x2a: {  	p0 =	seq.s32 s5, $0x0;
	s5 =	sld [smem:$0x3FB3]  }
0x2b: {  	s6 =	sld [smem:$0x3FB4]  }
0x2c: {  	s7 =	sld [smem:$0x3FB5]  }
0x2d: {  	s3 =	simm.s32 $0x108;
	s8 =	sld [smem:$0x3FB6]  }
0x2e: {  	s3 =	simm.s32 @!p0 $0x1082;
	s9 =	sld [smem:$0x3FB7]  }
0x2f: {  	lr =	sadd.s32 s0, s3;
	s0 =	sld [smem:$0x3FAE]  }
0x30: {  	s3 =	sld [smem:$0x3FB1]  }
0x31: {  	[smem:$0x3FBA] =	sst s10  }
0x32: {  	s10 =	sld [smem:$0x3FB8];
	_ =	sdelay $0x3  }
0x33: {  	p0 =	seq.s32 s10, $0x1;
	s10 =	sld [smem:$0x3FBA];
	_ =	sdelay $0x3  }
0x34: {  	[smem:$0x3FBA] =	sst s10  }
0x35: {  	s10 =	sld [smem:$0x3FB9];
	_ =	sdelay $0x3  }
0x36: {  	p1 =	seq.s32 s10, $0x1;
	s10 =	sld [smem:$0x3FBA];
	_ =	sdelay $0x3  }
0x37: {  	[smem:$0x3FBA] =	sst s10  }
0x38: {  	s10 =	sld [smem:$0x3FBB]  }
0x39: {  	_ = 	snop;
	(pc) =	sbr.ind lr, $3  }
0x3a: {  	_ = 	snop  }
0x3b: {  	_ = 	snop  }
0x3c: {  	p2 =	seq.s32 s10, $0x1;
	s10 =	sld [smem:$0x3FBA]  }
0x3d: {  	_ =	shalt  }
0x3e: {  	_ =	shalt  }
0x3f: {  	_ =	shalt  }
0x40: {  	_ =	shalt  }
0x41: {  	_ =	shalt  }
0x42: {  	_ =	shalt  }
0x43: {  	_ =	shalt  }
0x44: {  	_ =	shalt  }
0x45: {  	_ =	shalt  }
0x46: {  	_ =	shalt  }
0x47: {  	_ =	shalt  }
0x48: {  	_ =	shalt  }
0x49: {  	_ =	shalt  }
0x4a: {  	_ =	shalt  }
0x4b: {  	_ =	shalt  }
0x4c: {  	_ =	shalt  }
0x4d: {  	_ =	shalt  }
0x4e: {  	_ =	shalt  }
0x4f: {  	_ =	shalt  }
0x50: {  	_ =	shalt  }
0x51: {  	_ =	shalt  }
0x52: {  	_ =	shalt  }
0x53: {  	_ =	shalt  }
0x54: {  	_ =	shalt  }
0x55: {  	_ =	shalt  }
0x56: {  	_ =	shalt  }
0x57: {  	_ =	shalt  }
0x58: {  	_ =	shalt  }
0x59: {  	_ =	shalt  }
0x5a: {  	_ =	shalt  }
0x5b: {  	_ =	shalt  }
0x5c: {  	_ =	shalt  }
0x5d: {  	_ =	shalt  }
0x5e: {  	_ =	shalt  }
0x5f: {  	_ =	shalt  }
0x60: {  	_ =	shalt  }
0x61: {  	_ =	shalt  }
0x62: {  	_ =	shalt  }
0x63: {  	_ =	shalt  }
0x64: {  	_ =	shalt  }
0x65: {  	_ =	shalt  }
0x66: {  	_ =	shalt  }
0x67: {  	_ =	shalt  }
0x68: {  	_ =	shalt  }
0x69: {  	_ =	shalt  }
0x6a: {  	_ =	shalt  }
0x6b: {  	_ =	shalt  }
0x6c: {  	_ =	shalt  }
0x6d: {  	_ =	shalt  }
0x6e: {  	_ =	shalt  }
0x6f: {  	_ =	shalt  }
0x70: {  	_ =	shalt  }
0x71: {  	_ =	shalt  }
0x72: {  	_ =	shalt  }
0x73: {  	_ =	shalt  }
0x74: {  	_ =	shalt  }
0x75: {  	_ =	shalt  }
0x76: {  	_ =	shalt  }
0x77: {  	_ =	shalt  }
0x78: {  	_ =	shalt  }
0x79: {  	_ =	shalt  }
0x7a: {  	_ =	shalt  }
0x7b: {  	_ =	shalt  }
0x7c: {  	_ =	shalt  }
0x7d: {  	_ =	shalt  }
0x7e: {  	_ =	shalt  }
0x7f: {  	_ =	shalt  }
0x80: {  	_ =	shalt  }
0x81: {  	_ =	shalt  }
0x82: {  	_ =	shalt  }
0x83: {  	_ =	shalt  }
0x84: {  	_ =	shalt  }
0x85: {  	_ =	shalt  }
0x86: {  	_ =	shalt  }
0x87: {  	_ =	shalt  }
.Lfunc_end0:
.L_simem_size_0:
called_computation.2_lowered:
.L_overlay_start_0:
0x88: {  	s2 =	sld [smem:$0x3FD9]  }
0x89: {  	s3 =	sld [smem:$0x3FFE];
	_ =	sdelay $0x1  }
0x8a: {  	s1 =	srdreg.scid  }
0x8b: {  	s0 =	sand.u32 $0x1, s1  }
0x8c: {  	s17 =	sshll.u32 s0, $0xA;
	s2 =	sadd.s32 s3, s2  }
0x8d: {  	s2 =	sadd.s32 s2, s17  }
0x8e: {  	[smem:$0x3FC6] =	sst s2  }
0x8f: {  	_ = 	snop  }
0x90: {  	s2 =	sld [smem:$0x3FD0];
	(tm) =	ssettm $0x1  }
0x91: {  	s18 =	sld [smem:$0x3FFB];
	_ =	sdelay $0x3  }
0x92: {  	_ =	strace s18  }
0x93: {  	s3 =	sld [smem:$0x3FFC];
	_ =	sdelay $0x3  }
0x94: {  	_ =	strace s3  }
0x95: {  	s3 =	sld [smem:$0x3FFD];
	_ =	sdelay $0x3  }
0x96: {  	_ =	strace s3  }
0x97: {  	_ =	strace $0x8FFFFFFF  }
0x98: {  	s19 =	sld [smem:$0x3FDB];
	_ =	sdelay $0x1  }
0x99: {  	s4 =	simm.s32 $_scs_section_size  }
0x9a: {  	s5 =	simm.s32 $_size__tile_overlayer_lowered;
	s6 =	simm.s32 $_tile_overlayer_lowered  }
0x9b: {  	s22 =	simm.s32 $0x1BFF;
	s21 =	sshll.u32 s6, $0x1;
	s3 =	sadd.s32 s4, s19  }
0x9c: {  	s7 =	simm.s32 $0x0;
	s20 =	sshll.u32 s5, $0x1;
	s5 =	sadd.s32 s21, s3  }
0x9d: {  	[timem:s7], [sflag:s22] =	dma.local [hbm:s5], s20  }
0x9e: {  	_ =	swait.ge [sflag:s22], s20  }
0x9f: {  	s4 =	ssub.s32 $0x0, s20;
	[sflag:s22] =	ssyncset.done $0x0  }
0xa0: {  	[sflag:s22] =	ssyncadd.s32 s4;
	_ =	sdelay $0x1  }
0xa1: {  	s23 =	simm.s32 $0x1B8B  }
0xa2: {  	_ =	swait.ge [sflag:s23], $0x1  }
0xa3: {  	[sflag:s23] =	ssyncset.done $0x0  }
0xa4: {  	s25 =	simm.s32 $0x1B8E;
	s24 =	sld [smem:$0x3FFE];
	[sflag:s23] =	ssyncadd.s32 $0xFFFFFFFF  }
0xa5: {  	s26 =	simm.s32 $execute0_lowered;
	[smem:$0x3FD2] =	sst s25  }
0xa6: {  	s5 =	sshll.u32 s26, $0x1;
	_ =	strace $0x80000049;
	[dreg:$0x1] =	wrdreg $0xFFFFFFFF  }
0xa7: {  	s28 =	simm.s32 $_size_execute0_lowered;
	s3 =	sadd.s32 s3, s5;
	[dreg:$0x0] =	wrdreg $0x0  }
0xa8: {  	s5 =	sshll.u32 s28, $0x1;
	[dreg:$0x2] =	wrdreg s3  }
0xa9: {  	[dreg:$0x3] =	wrdreg s5  }
0xaa: {  	[dreg:$0x4] =	wrdreg $0xC0  }
0xab: {  	_ =	task [dreg:s7], $0x5FFFF  }
0xac: {  	[dreg:$0x1] =	wrdreg $0xFFFFFFFF  }
0xad: {  	[dreg:$0x0] =	wrdreg $0x60  }
0xae: {  	[dreg:$0x2] =	wrdreg s2  }
0xaf: {  	[dreg:$0x3] =	wrdreg s24  }
0xb0: {  	[dreg:$0x4] =	wrdreg $0x9  }
0xb1: {  	_ =	task.clear_ibuf [dreg:s7], $0x5FFFF;
	_ =	strace $0x90000049  }
0xb2: {  	s29 =	simm.s32 $0x9;
	_ =	strace $0x8000004B  }
0xb3: {  	_ =	swait.ge [sflag:s29], $0x1  }
0xb4: {  	[sflag:s29] =	ssyncadd.s32 $0xFFFFFFFF  }
0xb5: {  	_ =	strace $0x9000004B  }
0xb6: {  	_ =	sfence  }
0xb7: {  	s30 =	sld [smem:$0x0];
	_ =	sdelay $0x2  }
0xb8: {  	s31 =	sshll.u32 s1, $0xD;
	s1 =	sshrl.u32 s1, $0x2  }
0xb9: {  	s3 =	sand.u32 $0x4000, s31;
	s1 =	sadd.s32 s1, s30  }
0xba: {  	s0 =	sor.u32 s3, s0;
	s1 =	sshll.u32 s1, $0x11  }
0xbb: {  	s0 =	sor.u32 s1, s0  }
0xbc: {  	s0 =	sadd.s32 $0x8F2B, s0  }
0xbd: {  	[sflag:s0] =	ssyncadd.remote.s32 $0x1  }
0xbe: {  	_ =	sfence.sel $0xFFFF  }
0xbf: {  	[dreg:$0x0] =	wrdreg $0xFFFFFFFF;
	(pc) =	sbr.abs _section_cstart, $3  }
0xc0: {  	[dreg:$0x1] =	wrdreg $0xFFFFFFFF  }
0xc1: {  	_ =	task.clear_ibuf [dreg:s7], $0x2FFFF;
	_ =	strace $0x9FFFFFFF  }
0xc2: {  	(tm) =	ssettm $0x7FFFFFFF  }
0xc3: {  	_ =	shalt  }
tec
execute0_lowered:
.L_overlay_start_1:
0x0: {  	(tag) =	ssettag $0x1  }
0x1: {  	s1 =	rddreg [dreg:$0x0]  }
0x2: {  	s5 =	rddreg [dreg:$0x1];
	s2 =	srdreg.scid  }
0x3: {  	s0 =	rddreg [dreg:$0x2];
	s3 =	simm.s32 $0x0;
	s10 =	simm.s32 $0x12000  }
0x4: {  	s11 =	simm.s32 $0x80;
	s12 =	simm.s32 $0x400;
	s13 =	simm.s32 $0x0  }
0x5: {  	s6 =	sand.u32 $0x1, s2;
	[smem:$0x7FF] =	sst s3;
	s2 =	stileid.u32  }
0x6: {  	s4 =	sadd.s32 $0x360600, s5;
	s5 =	sadd.s32 $0x510600, s5;
	s7 =	ssub.s32 $0x2, s6  }
0x7: {  	_ =	strace $0x8000004A;
	s9 =	sshll.u32 s2, $0x1;
	s8 =	sshrl.u32 s7, $0x1  }
0x8: {  	s6 =	sor.u32 s6, s9;
	s9 =	simm.s32 $0x9000;
	s7 =	ssub.s32 s7, s8  }
0x9: {  	v0 =	vimm.f32 $0.0e+00;
	s6 =	smul.u32 $0xC, s6;
	s8 =	simm.s32 $0x1;
	s7 =	smax.u32 s7, $0x1  }
.LBB2_1:
0xa: {  	s14 =	simm.s32 $0x0  }
.LBB2_2:
0xb: {  	s16 =	sadd.s32 s6, s14  }
0xc: {  	s15 =	smul.u32 $0x1200, s16;
	_ =	sdelay $0x1  }
0xd: {  	s17 =	sadd.s32 s1, s15  }
0xe: {  	[tilespmem:s3], [sflag:$0x1] =	stream.linear.gather [hbm4b:s17+s3], $0x9000, $0x38;
	[tilespmem:$0x1E000] =	vst v63  }
0xf: {  	_ =	swait.ge [sflag:s8], $0x9000  }
0x10: {  	[sflag:s8] =	ssyncset.done $0x0  }
0x11: {  	s15 =	sadd.s32 s4, s15;
	[sflag:s8] =	ssyncadd.s32 $0xFFFF7000  }
0x12: {  	[tilespmem:s9], [sflag:$0x1] =	stream.linear.gather [hbm4b:s15+s3], $0x9000, $0x38;
	[tilespmem:$0x1E000] =	vst v63  }
0x13: {  	_ =	swait.ge [sflag:s8], $0x9000  }
0x14: {  	[sflag:s8] =	ssyncset.done $0x0  }
0x15: {  	s15 =	simm.s32 $0x12040;
	[sflag:s8] =	ssyncadd.s32 $0xFFFF7000  }
0x16: {  	[tilespmem:s15+$0xFFFFFFC0] =	vst v0  }
0x17: {  	[tilespmem:s15+$0x30] =	vst v0  }
0x18: {  	[tilespmem:s15+$0x20] =	vst v0  }
0x19: {  	[tilespmem:s15+$0x10] =	vst v0  }
0x1a: {  	[tilespmem:s15+$0x0] =	vst v0  }
0x1b: {  	[tilespmem:s15+$0xFFFFFFF0] =	vst v0  }
0x1c: {  	s17 =	simm.s32 $0x0;
	[tilespmem:s15+$0xFFFFFFE0] =	vst v0  }
.LBB2_3:
0x1d: {  	s17 =	sadd.s32 $0x80, s17;
	[tilespmem:s15+$0xFFFFFFD0] =	vst v0;
	s15 =	sadd.s32 $0x80, s15  }
0x1e: {  	[tilespmem:s15+$0xFFFFFFC0] =	vst v0;
	p0 =	slt.u32 s17, $0xBF80  }
0x1f: {  	[tilespmem:s15+$0x30] =	vst v0  }
.Ltmp0:
0x20: {  	[tilespmem:s15+$0x20] =	vst v0;
	(pc) =	sbr.rel @p0 .LBB2_3-.Ltmp0, $4  }
0x21: {  	[tilespmem:s15+$0x10] =	vst v0  }
0x22: {  	[tilespmem:s15+$0x0] =	vst v0  }
0x23: {  	[tilespmem:s15+$0xFFFFFFF0] =	vst v0  }
0x24: {  	[tilespmem:s15+$0xFFFFFFE0] =	vst v0  }
0x25: {  	[tilespmem:s15+$0xFFFFFFD0] =	vst v0;
	s15 =	smul.u32 $0x24000, s16;
	_ =	sdelay $0x1  }
0x26: {  	s17 =	simm.s32 $0xFFFFFFF8;
	s18 =	simm.s32 $0x40;
	s19 =	simm.s32 $0x9040;
	v1 =	vmov s15  }
.LBB2_5:
0x27: {  	v2 =	vld [tilespmem:s18+$0xFFFFFFC0];
	_ =	sdelay $0x4  }
0x28: {  	v2 =	vsub.s32 v2, v1  }
0x29: {  	vm0 =	vlt.u32 v2, $0xC000  }
0x2a: {  	v3 =	vld [tilespmem:s19+$0xFFFFFFC0];
	v2 =	vnsel vm0, $0x0, v2;
	_ =	sdelay $0x4  }
0x2b: {  	[tilespmem:v2+s10+$0x0] =	vst.idx.msk vm0, v3  }
0x2c: {  	v2 =	vld [tilespmem:s18+$0xFFFFFFD0];
	_ =	sdelay $0x4  }
0x2d: {  	v2 =	vsub.s32 v2, v1  }
0x2e: {  	vm9 =	vlt.u32 v2, $0xC000  }
0x2f: {  	v3 =	vld [tilespmem:s19+$0xFFFFFFD0];
	v2 =	vnsel vm9, $0x0, v2;
	_ =	sdelay $0x4  }
0x30: {  	[tilespmem:v2+s10+$0x0] =	vst.idx.msk vm9, v3  }
0x31: {  	v2 =	vld [tilespmem:s18+$0xFFFFFFE0];
	_ =	sdelay $0x4  }
0x32: {  	v2 =	vsub.s32 v2, v1  }
0x33: {  	vm10 =	vlt.u32 v2, $0xC000  }
0x34: {  	v3 =	vld [tilespmem:s19+$0xFFFFFFE0];
	v2 =	vnsel vm10, $0x0, v2;
	_ =	sdelay $0x4  }
0x35: {  	[tilespmem:v2+s10+$0x0] =	vst.idx.msk vm10, v3  }
0x36: {  	v2 =	vld [tilespmem:s18+$0xFFFFFFF0];
	_ =	sdelay $0x4  }
0x37: {  	v2 =	vsub.s32 v2, v1  }
0x38: {  	vm11 =	vlt.u32 v2, $0xC000  }
0x39: {  	v3 =	vld [tilespmem:s19+$0xFFFFFFF0];
	v2 =	vnsel vm11, $0x0, v2;
	_ =	sdelay $0x4  }
0x3a: {  	[tilespmem:v2+s10+$0x0] =	vst.idx.msk vm11, v3  }
0x3b: {  	v2 =	vld [tilespmem:s18+$0x0];
	_ =	sdelay $0x4  }
0x3c: {  	v2 =	vsub.s32 v2, v1  }
0x3d: {  	vm12 =	vlt.u32 v2, $0xC000  }
0x3e: {  	v3 =	vld [tilespmem:s19+$0x0];
	v2 =	vnsel vm12, $0x0, v2;
	_ =	sdelay $0x4  }
0x3f: {  	[tilespmem:v2+s10+$0x0] =	vst.idx.msk vm12, v3  }
0x40: {  	v2 =	vld [tilespmem:s18+$0x10];
	_ =	sdelay $0x4  }
0x41: {  	v2 =	vsub.s32 v2, v1  }
0x42: {  	vm13 =	vlt.u32 v2, $0xC000  }
0x43: {  	v3 =	vld [tilespmem:s19+$0x10];
	v2 =	vnsel vm13, $0x0, v2;
	_ =	sdelay $0x4  }
0x44: {  	[tilespmem:v2+s10+$0x0] =	vst.idx.msk vm13, v3  }
0x45: {  	v2 =	vld [tilespmem:s18+$0x20];
	_ =	sdelay $0x4  }
0x46: {  	v2 =	vsub.s32 v2, v1  }
0x47: {  	vm14 =	vlt.u32 v2, $0xC000  }
0x48: {  	v3 =	vld [tilespmem:s19+$0x20];
	v2 =	vnsel vm14, $0x0, v2;
	_ =	sdelay $0x4  }
0x49: {  	[tilespmem:v2+s10+$0x0] =	vst.idx.msk vm14, v3  }
0x4a: {  	v2 =	vld [tilespmem:s18+$0x30];
	_ =	sdelay $0x4  }
0x4b: {  	v2 =	vsub.s32 v2, v1  }
0x4c: {  	s17 =	sadd.s32 $0x8, s17;
	vm15 =	vlt.u32 v2, $0xC000  }
0x4d: {  	p0 =	slt.u32 s17, $0x8F8;
	v3 =	vld [tilespmem:s19+$0x30];
	v2 =	vnsel vm15, $0x0, v2  }
.Ltmp1:
0x4e: {  	_ = 	snop;
	(pc) =	sbr.rel @p0 .LBB2_5-.Ltmp1, $2  }
0x4f: {  	_ =	sdelay $0x2  }
0x50: {  	s18 =	sadd.s32 $0x80, s18;
	s19 =	sadd.s32 $0x80, s19;
	[tilespmem:v2+s10+$0x0] =	vst.idx.msk vm15, v3  }
0x51: {  	s17 =	sshrl.u32 s16, $0x3  }
0x52: {  	s31 =	sshll.u32 s16, $0x7;
	s17 =	smul.u32 $0x120000, s17  }
0x53: {  	s16 =	sand.u32 $0x380, s31  }
0x54: {  	s18 =	sor.u32 s16, s17  }
0x55: {  	s18 =	sshrl.u32 s18, $0x3  }
0x56: {  	s18 =	sadd.s32 s5, s18  }
0x57: {  	[hbm4b:s18+s11] =	stream.strided.scatter [tilespmem:s10], [sflag:$0x1], $0xC000, s12, s11, $0x38;
	[tilespmem:$0x1E000] =	vst v63  }
0x58: {  	_ =	swait.ge [sflag:s8], $0xC000  }
0x59: {  	[sflag:s8] =	ssyncset.done $0x0  }
0x5a: {  	s18 =	simm.s32 $0x12040;
	[sflag:s8] =	ssyncadd.s32 $0xFFFF4000  }
0x5b: {  	[tilespmem:s18+$0xFFFFFFC0] =	vst v0  }
0x5c: {  	[tilespmem:s18+$0x30] =	vst v0  }
0x5d: {  	[tilespmem:s18+$0x20] =	vst v0  }
0x5e: {  	[tilespmem:s18+$0x10] =	vst v0  }
0x5f: {  	[tilespmem:s18+$0x0] =	vst v0  }
0x60: {  	[tilespmem:s18+$0xFFFFFFF0] =	vst v0  }
0x61: {  	s19 =	simm.s32 $0x0;
	[tilespmem:s18+$0xFFFFFFE0] =	vst v0  }
.LBB2_7:
0x62: {  	s19 =	sadd.s32 $0x80, s19;
	[tilespmem:s18+$0xFFFFFFD0] =	vst v0;
	s18 =	sadd.s32 $0x80, s18  }
0x63: {  	[tilespmem:s18+$0xFFFFFFC0] =	vst v0;
	p0 =	slt.u32 s19, $0xBF80  }
0x64: {  	[tilespmem:s18+$0x30] =	vst v0  }
.Ltmp2:
0x65: {  	[tilespmem:s18+$0x20] =	vst v0;
	(pc) =	sbr.rel @p0 .LBB2_7-.Ltmp2, $4  }
0x66: {  	[tilespmem:s18+$0x10] =	vst v0  }
0x67: {  	[tilespmem:s18+$0x0] =	vst v0  }
0x68: {  	[tilespmem:s18+$0xFFFFFFF0] =	vst v0  }
0x69: {  	[tilespmem:s18+$0xFFFFFFE0] =	vst v0  }
0x6a: {  	s31 =	sadd.s32 $0xC000, s15  }
0x6b: {  	[tilespmem:s18+$0xFFFFFFD0] =	vst v0;
	s18 =	simm.s32 $0xFFFFFFF8;
	s19 =	simm.s32 $0x40;
	s20 =	simm.s32 $0x9040;
	v1 =	vmov s31  }
.LBB2_9:
0x6c: {  	v2 =	vld [tilespmem:s19+$0xFFFFFFC0];
	_ =	sdelay $0x4  }
0x6d: {  	v2 =	vsub.s32 v2, v1  }
0x6e: {  	vm0 =	vlt.u32 v2, $0xC000  }
0x6f: {  	v3 =	vld [tilespmem:s20+$0xFFFFFFC0];
	v2 =	vnsel vm0, $0x0, v2;
	_ =	sdelay $0x4  }
0x70: {  	[tilespmem:v2+s10+$0x0] =	vst.idx.msk vm0, v3  }
0x71: {  	v2 =	vld [tilespmem:s19+$0xFFFFFFD0];
	_ =	sdelay $0x4  }
0x72: {  	v2 =	vsub.s32 v2, v1  }
0x73: {  	vm9 =	vlt.u32 v2, $0xC000  }
0x74: {  	v3 =	vld [tilespmem:s20+$0xFFFFFFD0];
	v2 =	vnsel vm9, $0x0, v2;
	_ =	sdelay $0x4  }
0x75: {  	[tilespmem:v2+s10+$0x0] =	vst.idx.msk vm9, v3  }
0x76: {  	v2 =	vld [tilespmem:s19+$0xFFFFFFE0];
	_ =	sdelay $0x4  }
0x77: {  	v2 =	vsub.s32 v2, v1  }
0x78: {  	vm10 =	vlt.u32 v2, $0xC000  }
0x79: {  	v3 =	vld [tilespmem:s20+$0xFFFFFFE0];
	v2 =	vnsel vm10, $0x0, v2;
	_ =	sdelay $0x4  }
0x7a: {  	[tilespmem:v2+s10+$0x0] =	vst.idx.msk vm10, v3  }
0x7b: {  	v2 =	vld [tilespmem:s19+$0xFFFFFFF0];
	_ =	sdelay $0x4  }
0x7c: {  	v2 =	vsub.s32 v2, v1  }
0x7d: {  	vm11 =	vlt.u32 v2, $0xC000  }
0x7e: {  	v3 =	vld [tilespmem:s20+$0xFFFFFFF0];
	v2 =	vnsel vm11, $0x0, v2;
	_ =	sdelay $0x4  }
0x7f: {  	[tilespmem:v2+s10+$0x0] =	vst.idx.msk vm11, v3  }
0x80: {  	v2 =	vld [tilespmem:s19+$0x0];
	_ =	sdelay $0x4  }
0x81: {  	v2 =	vsub.s32 v2, v1  }
0x82: {  	vm12 =	vlt.u32 v2, $0xC000  }
0x83: {  	v3 =	vld [tilespmem:s20+$0x0];
	v2 =	vnsel vm12, $0x0, v2;
	_ =	sdelay $0x4  }
0x84: {  	[tilespmem:v2+s10+$0x0] =	vst.idx.msk vm12, v3  }
0x85: {  	v2 =	vld [tilespmem:s19+$0x10];
	_ =	sdelay $0x4  }
0x86: {  	v2 =	vsub.s32 v2, v1  }
0x87: {  	vm13 =	vlt.u32 v2, $0xC000  }
0x88: {  	v3 =	vld [tilespmem:s20+$0x10];
	v2 =	vnsel vm13, $0x0, v2;
	_ =	sdelay $0x4  }
0x89: {  	[tilespmem:v2+s10+$0x0] =	vst.idx.msk vm13, v3  }
0x8a: {  	v2 =	vld [tilespmem:s19+$0x20];
	_ =	sdelay $0x4  }
0x8b: {  	v2 =	vsub.s32 v2, v1  }
0x8c: {  	vm14 =	vlt.u32 v2, $0xC000  }
0x8d: {  	v3 =	vld [tilespmem:s20+$0x20];
	v2 =	vnsel vm14, $0x0, v2;
	_ =	sdelay $0x4  }
0x8e: {  	[tilespmem:v2+s10+$0x0] =	vst.idx.msk vm14, v3  }
0x8f: {  	v2 =	vld [tilespmem:s19+$0x30];
	_ =	sdelay $0x4  }
0x90: {  	v2 =	vsub.s32 v2, v1  }
0x91: {  	s18 =	sadd.s32 $0x8, s18;
	vm15 =	vlt.u32 v2, $0xC000  }
0x92: {  	p0 =	slt.u32 s18, $0x8F8;
	v3 =	vld [tilespmem:s20+$0x30];
	v2 =	vnsel vm15, $0x0, v2  }
.Ltmp3:
0x93: {  	_ = 	snop;
	(pc) =	sbr.rel @p0 .LBB2_9-.Ltmp3, $2  }
0x94: {  	_ =	sdelay $0x2  }
0x95: {  	s19 =	sadd.s32 $0x80, s19;
	s20 =	sadd.s32 $0x80, s20;
	[tilespmem:v2+s10+$0x0] =	vst.idx.msk vm15, v3  }
0x96: {  	s16 =	sadd.s32 s16, s17  }
0x97: {  	s17 =	sadd.s32 $0x60000, s16  }
0x98: {  	s17 =	sshrl.u32 s17, $0x3  }
0x99: {  	s17 =	sadd.s32 s5, s17  }
0x9a: {  	[hbm4b:s17+s11] =	stream.strided.scatter [tilespmem:s10], [sflag:$0x1], $0xC000, s12, s11, $0x38;
	[tilespmem:$0x1E000] =	vst v63  }
0x9b: {  	_ =	swait.ge [sflag:s8], $0xC000  }
0x9c: {  	[sflag:s8] =	ssyncset.done $0x0  }
0x9d: {  	s17 =	simm.s32 $0x12040;
	[sflag:s8] =	ssyncadd.s32 $0xFFFF4000  }
0x9e: {  	[tilespmem:s17+$0xFFFFFFC0] =	vst v0  }
0x9f: {  	[tilespmem:s17+$0x30] =	vst v0  }
0xa0: {  	[tilespmem:s17+$0x20] =	vst v0  }
0xa1: {  	[tilespmem:s17+$0x10] =	vst v0  }
0xa2: {  	[tilespmem:s17+$0x0] =	vst v0  }
0xa3: {  	[tilespmem:s17+$0xFFFFFFF0] =	vst v0  }
0xa4: {  	s18 =	simm.s32 $0x0;
	[tilespmem:s17+$0xFFFFFFE0] =	vst v0  }
.LBB2_11:
0xa5: {  	s18 =	sadd.s32 $0x80, s18;
	[tilespmem:s17+$0xFFFFFFD0] =	vst v0;
	s17 =	sadd.s32 $0x80, s17  }
0xa6: {  	[tilespmem:s17+$0xFFFFFFC0] =	vst v0;
	p0 =	slt.u32 s18, $0xBF80  }
0xa7: {  	[tilespmem:s17+$0x30] =	vst v0  }
.Ltmp4:
0xa8: {  	[tilespmem:s17+$0x20] =	vst v0;
	(pc) =	sbr.rel @p0 .LBB2_11-.Ltmp4, $4  }
0xa9: {  	[tilespmem:s17+$0x10] =	vst v0  }
0xaa: {  	[tilespmem:s17+$0x0] =	vst v0  }
0xab: {  	[tilespmem:s17+$0xFFFFFFF0] =	vst v0  }
0xac: {  	[tilespmem:s17+$0xFFFFFFE0] =	vst v0  }
0xad: {  	s15 =	sadd.s32 $0x18000, s15  }
0xae: {  	[tilespmem:s17+$0xFFFFFFD0] =	vst v0;
	s17 =	simm.s32 $0x40;
	s18 =	simm.s32 $0x9040;
	v1 =	vmov s15;
	s15 =	simm.s32 $0xFFFFFFF8  }
.LBB2_13:
0xaf: {  	v2 =	vld [tilespmem:s17+$0xFFFFFFC0];
	_ =	sdelay $0x4  }
0xb0: {  	v2 =	vsub.s32 v2, v1  }
0xb1: {  	vm0 =	vlt.u32 v2, $0xC000  }
0xb2: {  	v3 =	vld [tilespmem:s18+$0xFFFFFFC0];
	v2 =	vnsel vm0, $0x0, v2;
	_ =	sdelay $0x4  }
0xb3: {  	[tilespmem:v2+s10+$0x0] =	vst.idx.msk vm0, v3  }
0xb4: {  	v2 =	vld [tilespmem:s17+$0xFFFFFFD0];
	_ =	sdelay $0x4  }
0xb5: {  	v2 =	vsub.s32 v2, v1  }
0xb6: {  	vm9 =	vlt.u32 v2, $0xC000  }
0xb7: {  	v3 =	vld [tilespmem:s18+$0xFFFFFFD0];
	v2 =	vnsel vm9, $0x0, v2;
	_ =	sdelay $0x4  }
0xb8: {  	[tilespmem:v2+s10+$0x0] =	vst.idx.msk vm9, v3  }
0xb9: {  	v2 =	vld [tilespmem:s17+$0xFFFFFFE0];
	_ =	sdelay $0x4  }
0xba: {  	v2 =	vsub.s32 v2, v1  }
0xbb: {  	vm10 =	vlt.u32 v2, $0xC000  }
0xbc: {  	v3 =	vld [tilespmem:s18+$0xFFFFFFE0];
	v2 =	vnsel vm10, $0x0, v2;
	_ =	sdelay $0x4  }
0xbd: {  	[tilespmem:v2+s10+$0x0] =	vst.idx.msk vm10, v3  }
0xbe: {  	v2 =	vld [tilespmem:s17+$0xFFFFFFF0];
	_ =	sdelay $0x4  }
0xbf: {  	v2 =	vsub.s32 v2, v1  }
0xc0: {  	vm11 =	vlt.u32 v2, $0xC000  }
0xc1: {  	v3 =	vld [tilespmem:s18+$0xFFFFFFF0];
	v2 =	vnsel vm11, $0x0, v2;
	_ =	sdelay $0x4  }
0xc2: {  	[tilespmem:v2+s10+$0x0] =	vst.idx.msk vm11, v3  }
0xc3: {  	v2 =	vld [tilespmem:s17+$0x0];
	_ =	sdelay $0x4  }
0xc4: {  	v2 =	vsub.s32 v2, v1  }
0xc5: {  	vm12 =	vlt.u32 v2, $0xC000  }
0xc6: {  	v3 =	vld [tilespmem:s18+$0x0];
	v2 =	vnsel vm12, $0x0, v2;
	_ =	sdelay $0x4  }
0xc7: {  	[tilespmem:v2+s10+$0x0] =	vst.idx.msk vm12, v3  }
0xc8: {  	v2 =	vld [tilespmem:s17+$0x10];
	_ =	sdelay $0x4  }
0xc9: {  	v2 =	vsub.s32 v2, v1  }
0xca: {  	vm13 =	vlt.u32 v2, $0xC000  }
0xcb: {  	v3 =	vld [tilespmem:s18+$0x10];
	v2 =	vnsel vm13, $0x0, v2;
	_ =	sdelay $0x4  }
0xcc: {  	[tilespmem:v2+s10+$0x0] =	vst.idx.msk vm13, v3  }
0xcd: {  	v2 =	vld [tilespmem:s17+$0x20];
	_ =	sdelay $0x4  }
0xce: {  	v2 =	vsub.s32 v2, v1  }
0xcf: {  	vm14 =	vlt.u32 v2, $0xC000  }
0xd0: {  	v3 =	vld [tilespmem:s18+$0x20];
	v2 =	vnsel vm14, $0x0, v2;
	_ =	sdelay $0x4  }
0xd1: {  	[tilespmem:v2+s10+$0x0] =	vst.idx.msk vm14, v3  }
0xd2: {  	v2 =	vld [tilespmem:s17+$0x30];
	_ =	sdelay $0x4  }
0xd3: {  	v2 =	vsub.s32 v2, v1  }
0xd4: {  	s15 =	sadd.s32 $0x8, s15;
	vm15 =	vlt.u32 v2, $0xC000  }
0xd5: {  	p0 =	slt.u32 s15, $0x8F8;
	v3 =	vld [tilespmem:s18+$0x30];
	v2 =	vnsel vm15, $0x0, v2  }
.Ltmp5:
0xd6: {  	_ = 	snop;
	(pc) =	sbr.rel @p0 .LBB2_13-.Ltmp5, $2  }
0xd7: {  	_ =	sdelay $0x2  }
0xd8: {  	s17 =	sadd.s32 $0x80, s17;
	s18 =	sadd.s32 $0x80, s18;
	[tilespmem:v2+s10+$0x0] =	vst.idx.msk vm15, v3  }
0xd9: {  	s15 =	sadd.s32 $0xC0000, s16;
	s14 =	sadd.s32 $0x1, s14  }
0xda: {  	s15 =	sshrl.u32 s15, $0x3;
	p0 =	sne.s32 s14, $0xC  }
.Ltmp6:
0xdb: {  	s15 =	sadd.s32 s5, s15;
	(pc) =	sbr.rel @p0 .LBB2_2-.Ltmp6, $4  }
0xdc: {  	[hbm4b:s15+s11] =	stream.strided.scatter [tilespmem:s10], [sflag:$0x1], $0xC000, s12, s11, $0x38;
	[tilespmem:$0x1E000] =	vst v63  }
0xdd: {  	_ =	swait.ge [sflag:s8], $0xC000  }
0xde: {  	[sflag:s8] =	ssyncset.done $0x0  }
0xdf: {  	[sflag:s8] =	ssyncadd.s32 $0xFFFF4000  }
0xe0: {  	s13 =	sadd.s32 $0x1, s13  }
0xe1: {  	p0 =	sne.s32 s13, s7  }
.Ltmp7:
0xe2: {  	_ = 	snop;
	(pc) =	sbr.rel @p0 .LBB2_1-.Ltmp7, $1  }
0xe3: {  	_ =	sdelay $0x3  }
0xe4: {  	_ =	sfence.sel $0x180000  }
0xe5: {  	[bflag:$0x0] =	sbarrier.arrive $0xFFFF  }
0xe6: {  	p0 =	sne.s32 s2, $0x0;
	_ =	strace $0x9000004A  }
0xe7: {  	s0 =	sadd.s32 @!p0 $0x100000, s0;
	[bflag:$0x2] =	sbarrier.arrive $0xFFFF  }
0xe8: {  	[sflag:s0] =	ssyncadd.tile.s32 @!p0 $0x1;
	_ =	shalt  }
.Lfunc_end2:
_tile_overlayer_lowered:
.L_overlay_start_2:
0xe9: {  	(tag) =	ssettag $0x2  }
0xea: {  	s0 =	rddreg [dreg:$0x0];
	s2 =	stileid.u32  }
0xeb: {  	s1 =	rddreg [dreg:$0x1];
	p0 =	sne.s32 s2, $0x0  }
0xec: {  	s3 =	rddreg [dreg:$0x2];
	[bflag:$0x3] =	sbarrier.arrive $0xFFFF;
	s2 =	simm.s32 @!p0 $0x1C01  }
0xed: {  	[timem:s3], [sflag:s2] =	dma.local @!p0 [hbm:s0], s1  }
0xee: {  	s0 =	simm.s32 @!p0 $0x1  }
0xef: {  	_ =	swait.ge @!p0 [sflag:s0], s1  }
0xf0: {  	s1 =	ssub.s32 @!p0 $0x0, s1;
	[sflag:s0] =	ssyncset.done @!p0 $0x0  }
0xf1: {  	[sflag:s0] =	ssyncadd.s32 @!p0 s1  }
0xf2: {  	[bflag:$0x3] =	sbarrier.arrive $0xFFFF  }
0xf3: {  	_ =	shalt  }

// kernel: sparse-core-data-format-call.1.cloned.1.call-start
scs
called_computation.1_lowered:
.L_overlay_start_0:
0x0: {  	s1 =	sld [smem:$0x3FD9]  }
0x1: {  	s2 =	sld [smem:$0x3FFE];
	_ =	sdelay $0x1  }
0x2: {  	s3 =	srdreg.scid  }
0x3: {  	s0 =	sand.u32 $0x1, s3  }
0x4: {  	s17 =	sshll.u32 s0, $0xA;
	s1 =	sadd.s32 s2, s1  }
0x5: {  	s1 =	sadd.s32 s1, s17  }
0x6: {  	[smem:$0x3FC6] =	sst s1  }
0x7: {  	_ = 	snop  }
0x8: {  	(tm) =	ssettm $0x1  }
0x9: {  	s18 =	sld [smem:$0x3FFB];
	_ =	sdelay $0x3  }
0xa: {  	_ =	strace s18  }
0xb: {  	s1 =	sld [smem:$0x3FFC];
	_ =	sdelay $0x3  }
0xc: {  	_ =	strace s1  }
0xd: {  	s1 =	sld [smem:$0x3FFD];
	_ =	sdelay $0x3  }
0xe: {  	_ =	strace s1  }
0xf: {  	_ =	strace $0x8FFFFFFF  }
0x10: {  	s19 =	sld [smem:$0x3FDB];
	_ =	sdelay $0x1  }
0x11: {  	s20 =	simm.s32 $_scs_section_size  }
0x12: {  	s4 =	simm.s32 $_size__tile_overlayer_lowered;
	s5 =	simm.s32 $_tile_overlayer_lowered  }
0x13: {  	s23 =	simm.s32 $0x1BFF;
	s22 =	sshll.u32 s5, $0x1;
	s1 =	sadd.s32 s20, s19  }
0x14: {  	s6 =	simm.s32 $0x0;
	s21 =	sshll.u32 s4, $0x1;
	s4 =	sadd.s32 s22, s1  }
0x15: {  	[timem:s6], [sflag:s23] =	dma.local [hbm:s4], s21  }
0x16: {  	_ =	swait.ge [sflag:s23], s21  }
0x17: {  	s2 =	ssub.s32 $0x0, s21;
	[sflag:s23] =	ssyncset.done $0x0  }
0x18: {  	[sflag:s23] =	ssyncadd.s32 s2;
	_ =	sdelay $0x1  }
0x19: {  	s24 =	simm.s32 $0x1B8B  }
0x1a: {  	_ =	swait.ge [sflag:s24], $0x1  }
0x1b: {  	[sflag:s24] =	ssyncset.done $0x0  }
0x1c: {  	s26 =	simm.s32 $0x1B8E;
	s25 =	sld [smem:$0x3FFE];
	[sflag:s24] =	ssyncadd.s32 $0xFFFFFFFF  }
0x1d: {  	s27 =	simm.s32 $execute0_lowered;
	[smem:$0x3FD2] =	sst s26  }
0x1e: {  	s4 =	sshll.u32 s27, $0x1;
	_ =	strace $0x80000046;
	[dreg:$0x1] =	wrdreg $0xFFFFFFFF  }
0x1f: {  	s28 =	simm.s32 $_size_execute0_lowered;
	s1 =	sadd.s32 s1, s4;
	[dreg:$0x0] =	wrdreg $0x0  }
0x20: {  	s4 =	sshll.u32 s28, $0x1;
	[dreg:$0x2] =	wrdreg s1  }
0x21: {  	[dreg:$0x3] =	wrdreg s4  }
0x22: {  	[dreg:$0x4] =	wrdreg $0xC0  }
0x23: {  	_ =	task [dreg:s6], $0x5FFFF  }
0x24: {  	[dreg:$0x1] =	wrdreg $0xFFFFFFFF  }
0x25: {  	[dreg:$0x0] =	wrdreg $0x60  }
0x26: {  	[dreg:$0x2] =	wrdreg s25  }
0x27: {  	[dreg:$0x3] =	wrdreg $0x9  }
0x28: {  	_ =	task.clear_ibuf [dreg:s6], $0x4FFFF;
	_ =	strace $0x90000046  }
0x29: {  	s29 =	simm.s32 $0x9;
	_ =	strace $0x80000048  }
0x2a: {  	_ =	swait.ge [sflag:s29], $0x1  }
0x2b: {  	[sflag:s29] =	ssyncadd.s32 $0xFFFFFFFF  }
0x2c: {  	_ =	strace $0x90000048  }
0x2d: {  	_ =	sfence  }
0x2e: {  	s30 =	sld [smem:$0x0];
	_ =	sdelay $0x2  }
0x2f: {  	s31 =	sshll.u32 s3, $0xD;
	s3 =	sshrl.u32 s3, $0x2  }
0x30: {  	s2 =	sand.u32 $0x4000, s31;
	s1 =	sadd.s32 s3, s30  }
0x31: {  	s0 =	sor.u32 s2, s0;
	s1 =	sshll.u32 s1, $0x11  }
0x32: {  	s0 =	sor.u32 s1, s0  }
0x33: {  	s0 =	sadd.s32 $0x8F2B, s0  }
0x34: {  	[sflag:s0] =	ssyncadd.remote.s32 $0x1  }
0x35: {  	_ =	sfence.sel $0xFFFF  }
0x36: {  	[dreg:$0x0] =	wrdreg $0xFFFFFFFF;
	(pc) =	sbr.abs _section_cstart, $3  }
0x37: {  	[dreg:$0x1] =	wrdreg $0xFFFFFFFF  }
0x38: {  	_ =	task.clear_ibuf [dreg:s6], $0x2FFFF;
	_ =	strace $0x9FFFFFFF  }
0x39: {  	(tm) =	ssettm $0x7FFFFFFF  }
tec
execute0_lowered:
.L_overlay_start_1:
0x0: {  	(tag) =	ssettag $0x1  }
0x1: {  	s0 =	srdreg.scid;
	s6 =	rddreg [dreg:$0x0];
	s4 =	simm.s32 $0x1  }
0x2: {  	s7 =	simm.s32 $0x2;
	s14 =	simm.s32 $0x0;
	s1 =	sshll.u32 s0, $0x4  }
0x3: {  	s8 =	simm.s32 $0x800;
	s0 =	stileid.u32;
	s1 =	sand.u32 $0x10, s1  }
0x4: {  	s9 =	simm.s32 $0x9000;
	s10 =	simm.s32 $0x0;
	s2 =	sor.u32 s0, s1  }
.Ltmp0:
0x5: {  	s15 =	simm.s32 $0x0;
	s3 =	ssub.s32 $0x4F, s2;
	(pc) =	sbr.rel .LBB1_1-.Ltmp0, $4  }
0x6: {  	s11 =	simm.s32 $0x0;
	s13 =	simm.s32 $0x0;
	s5 =	sshrl.u32 s3, $0x5  }
0x7: {  	s1 =	rddreg [dreg:$0x1];
	_ =	strace $0x80000047;
	s5 =	smul.u32 $0x12, s5  }
0x8: {  	[sflag:s4] =	ssyncpa.u1 $0x0;
	s12 =	smov.u32 s2;
	s3 =	sadd.s32 $0x600, s6  }
0x9: {  	s6 =	sadd.s32 $0x1B0600, s6;
	[sflag:s7] =	ssyncpa.u1 $0x0;
	s7 =	sor.u32 $0x1, s5  }
.LBB1_7:
0xa: {  	s16 =	sadd.s32 $0x10, s11  }
0xb: {  	s14 =	sadd.s32 $0x20, s12;
	s18 =	smov.u32 s12;
	p1 =	sgt.s32 s16, $0x11F  }
0xc: {  	s18 =	smov.u32 @p1 s14  }
0xd: {  	s16 =	simm.s32 @p1 $0x0;
	p1 =	sgt.s32 s18, $0x2F  }
0xe: {  	s18 =	smov.u32 @p1 s2;
	p1 =	sne.s32 s13, s7  }
.Ltmp1:
0xf: {  	p0 =	slt.u32 s13, $0x2;
	(pc) =	sbr.rel @!p1 .LBB1_8-.Ltmp1, $4  }
0x10: {  	s17 =	simm.s32 @!p0 $0x2  }
0x11: {  	s15 =	smov.u32 s12;
	s10 =	sadd.s32 $0x4000, s10;
	_ =	swait.ge @!p0 [sflag:s17], $0x4000  }
0x12: {  	s14 =	smov.u32 s11;
	[sflag:s17] =	ssyncset.done @!p0 $0x0;
	s11 =	smov.u32 s16  }
0x13: {  	s13 =	sadd.s32 $0x1, s13;
	[sflag:s17] =	ssyncadd.s32 @!p0 $0xFFFFC000;
	s12 =	smov.u32 s18  }
.LBB1_1:
0x14: {  	p0 =	sge.u32 s13, s5  }
0x15: {  	s16 =	smul.u32 @!p0 $0x9000, s12  }
0x16: {  	s31 =	sadd.s32 $0xFFFFFFFF, s13;
	s17 =	sxor.u32 @!p0 $0xFFFFFFFF, s13  }
0x17: {  	s18 =	sshll.u32 @!p0 s11, $0x7;
	s17 =	sshll.u32 @!p0 s17, $0xE;
	s16 =	sadd.s32 @!p0 s3, s16  }
0x18: {  	s17 =	sand.u32 @!p0 $0x4000, s17;
	s16 =	sadd.s32 @!p0 s18, s16;
	s18 =	simm.s32 @!p0 $0x0  }
0x19: {  	[tilespmem:s17], [sflag:$0x1] =	stream.linear.gather @!p0 [hbm4b:s16+s18], $0x4000, $0x38;
	[tilespmem:$0x10000] =	vst v63  }
0x1a: {  	p0 =	sge.u32 s31, s5  }
.Ltmp2:
0x1b: {  	_ = 	snop;
	(pc) =	sbr.rel @p0 .LBB1_7-.Ltmp2, $1  }
0x1c: {  	_ =	sdelay $0x3  }
0x1d: {  	s16 =	sand.u32 $0x4000, s10  }
0x1e: {  	_ =	swait.ge [sflag:s4], $0x4000;
	s19 =	sshll.u32 s13, $0xE;
	s17 =	sor.u32 $0x8040, s16  }
0x1f: {  	s18 =	sor.u32 $0x40, s16;
	[sflag:s4] =	ssyncset.done $0x0;
	s31 =	sand.u32 $0x4000, s19  }
0x20: {  	s19 =	simm.s32 $0x0;
	[sflag:s4] =	ssyncadd.s32 $0xFFFFC000;
	s16 =	sor.u32 $0x8000, s31  }
.LBB1_3:
0x21: {  	v0 =	vmov s18;
	_ =	sdelay $0x3  }
0x22: {  	s21 =	simm.s32 $0x0  }
0x23: {  	v6 =	vld.idx.msk [tilespmem:v0+s21+$0x30 ss:$0x1], $0xffff  }
0x24: {  	v7 =	vld.idx.msk [tilespmem:v0+s21+$0xFFFFFFC0 ss:$0x1], $0xffff  }
0x25: {  	v5 =	vld.idx.msk [tilespmem:v0+s21+$0xFFFFFFD0 ss:$0x1], $0xffff  }
0x26: {  	v4 =	vld.idx.msk [tilespmem:v0+s21+$0xFFFFFFE0 ss:$0x1], $0xffff  }
0x27: {  	v3 =	vld.idx.msk [tilespmem:v0+s21+$0xFFFFFFF0 ss:$0x1], $0xffff  }
0x28: {  	v1 =	vld.idx.msk [tilespmem:v0+s21+$0x0 ss:$0x1], $0xffff  }
0x29: {  	v2 =	vld.idx.msk [tilespmem:v0+s21+$0x10 ss:$0x1], $0xffff;
	[tilespmem:s17+$0x30] =	vst v6  }
0x2a: {  	s20 =	simm.s32 $0x80;
	s22 =	simm.s32 $0x400;
	[tilespmem:s17+$0xFFFFFFC0] =	vst v7;
	v6 =	vld.idx.msk [tilespmem:v0+s21+$0x20 ss:$0x1], $0xffff;
	s21 =	smov.u32 s17  }
.LBB1_4:
0x2b: {  	p0 =	sne.s32 s22, $0xE00;
	v7 =	vld.idx.msk [tilespmem:v0+s20+$0x30 ss:$0x1], $0xffff;
	[tilespmem:s21+$0xFFFFFFD0] =	vst v5  }
0x2c: {  	v8 =	vld.idx.msk [tilespmem:v0+s20+$0xFFFFFFC0 ss:$0x1], $0xffff;
	[tilespmem:s21+$0xFFFFFFE0] =	vst v4  }
0x2d: {  	v5 =	vld.idx.msk [tilespmem:v0+s20+$0xFFFFFFD0 ss:$0x1], $0xffff;
	[tilespmem:s21+$0xFFFFFFF0] =	vst v3  }
.Ltmp3:
0x2e: {  	v4 =	vld.idx.msk [tilespmem:v0+s20+$0xFFFFFFE0 ss:$0x1], $0xffff;
	[tilespmem:s21+$0x0] =	vst v1;
	(pc) =	sbr.rel @p0 .LBB1_4-.Ltmp3, $4  }
0x2f: {  	v3 =	vld.idx.msk [tilespmem:v0+s20+$0xFFFFFFF0 ss:$0x1], $0xffff;
	[tilespmem:s21+$0x10] =	vst v2  }
0x30: {  	v1 =	vld.idx.msk [tilespmem:v0+s20+$0x0 ss:$0x1], $0xffff;
	[tilespmem:s21+$0x20] =	vst v6;
	s21 =	sadd.s32 $0x800, s21  }
0x31: {  	v2 =	vld.idx.msk [tilespmem:v0+s20+$0x10 ss:$0x1], $0xffff;
	[tilespmem:s21+$0x30] =	vst v7  }
0x32: {  	[tilespmem:s21+$0xFFFFFFC0] =	vst v8;
	v6 =	vld.idx.msk [tilespmem:v0+s20+$0x20 ss:$0x1], $0xffff;
	s20 =	sshra.s32 s22, $0x2;
	s22 =	sadd.s32 $0x200, s22  }
0x33: {  	_ =	sdelay $0x2  }
0x34: {  	[tilespmem:s21+$0xFFFFFFD0] =	vst v5  }
0x35: {  	v56 =	vld.idx.msk [tilespmem:v0+s20+$0x30 ss:$0x1], $0xffff;
	[tilespmem:s21+$0xFFFFFFE0] =	vst v4  }
0x36: {  	v57 =	vld.idx.msk [tilespmem:v0+s20+$0xFFFFFFC0 ss:$0x1], $0xffff;
	[tilespmem:s21+$0xFFFFFFF0] =	vst v3  }
0x37: {  	v58 =	vld.idx.msk [tilespmem:v0+s20+$0xFFFFFFD0 ss:$0x1], $0xffff;
	[tilespmem:s21+$0x0] =	vst v1  }
0x38: {  	v59 =	vld.idx.msk [tilespmem:v0+s20+$0xFFFFFFE0 ss:$0x1], $0xffff;
	[tilespmem:s21+$0x10] =	vst v2  }
0x39: {  	v60 =	vld.idx.msk [tilespmem:v0+s20+$0xFFFFFFF0 ss:$0x1], $0xffff;
	s31 =	sadd.s32 $0x800, s21;
	[tilespmem:s21+$0x20] =	vst v6  }
0x3a: {  	v61 =	vld.idx.msk [tilespmem:v0+s20+$0x0 ss:$0x1], $0xffff;
	[tilespmem:s31+$0x30] =	vst v56  }
0x3b: {  	v62 =	vld.idx.msk [tilespmem:v0+s20+$0x10 ss:$0x1], $0xffff;
	s19 =	sadd.s32 $0x1, s19;
	[tilespmem:s31+$0xFFFFFFC0] =	vst v57  }
0x3c: {  	v63 =	vld.idx.msk [tilespmem:v0+s20+$0x20 ss:$0x1], $0xffff;
	p0 =	sne.s32 s19, $0x10;
	[tilespmem:s31+$0xFFFFFFD0] =	vst v58  }
.Ltmp4:
0x3d: {  	[tilespmem:s31+$0xFFFFFFE0] =	vst v59;
	(pc) =	sbr.rel @p0 .LBB1_3-.Ltmp4, $4  }
0x3e: {  	[tilespmem:s31+$0xFFFFFFF0] =	vst v60  }
0x3f: {  	[tilespmem:s31+$0x0] =	vst v61  }
0x40: {  	[tilespmem:s31+$0x10] =	vst v62  }
0x41: {  	s17 =	sadd.s32 $0x80, s17;
	s18 =	sadd.s32 $0x400, s18;
	[tilespmem:s31+$0x20] =	vst v63  }
0x42: {  	s14 =	sand.u32 $0x1FFFFFF, s14  }
0x43: {  	s17 =	smulhi.u32 $0xE38E39, s14  }
0x44: {  	s15 =	smul.u32 $0x9000, s15  }
0x45: {  	s17 =	smul.u32 $0x120, s17  }
.Ltmp5:
0x46: {  	_ = 	snop;
	(pc) =	sbr.rel .LBB1_7-.Ltmp5, $4  }
0x47: {  	s14 =	ssub.s32 s14, s17  }
0x48: {  	s15 =	sadd.s32 s6, s15;
	s14 =	sshll.u32 s14, $0x4  }
0x49: {  	s14 =	sadd.s32 s14, s15  }
0x4a: {  	[hbm4b:s14+s8] =	stream.strided.scatter [tilespmem:s16], [sflag:$0x2], $0x4000, s9, s8, $0x38;
	[tilespmem:$0x10000] =	vst v63  }
.LBB1_8:
0x4b: {  	_ =	sfence.sel $0x180000  }
0x4c: {  	s2 =	simm.s32 $0x1;
	[bflag:$0x0] =	sbarrier.arrive $0xFFFF  }
0x4d: {  	s31 =	simm.s32 $0x2;
	[sflag:s2] =	ssyncpa.u1 $0x1  }
0x4e: {  	[sflag:s31] =	ssyncpa.u1 $0x1  }
0x4f: {  	p0 =	sne.s32 s0, $0x0;
	_ =	strace $0x90000047  }
0x50: {  	s0 =	sadd.s32 @!p0 $0x100000, s1;
	[bflag:$0x2] =	sbarrier.arrive $0xFFFF  }
0x51: {  	[sflag:s0] =	ssyncadd.tile.s32 @!p0 $0x1;
	_ =	shalt  }
.Lfunc_end1:
_tile_overlayer_lowered:
.L_overlay_start_2:
0x52: {  	(tag) =	ssettag $0x2  }
0x53: {  	s0 =	rddreg [dreg:$0x0];
	s2 =	stileid.u32  }
0x54: {  	s1 =	rddreg [dreg:$0x1];
	p0 =	sne.s32 s2, $0x0  }
0x55: {  	s3 =	rddreg [dreg:$0x2];
	[bflag:$0x3] =	sbarrier.arrive $0xFFFF;
	s2 =	simm.s32 @!p0 $0x1C01  }
0x56: {  	[timem:s3], [sflag:s2] =	dma.local @!p0 [hbm:s0], s1  }
0x57: {  	s0 =	simm.s32 @!p0 $0x1  }
0x58: {  	_ =	swait.ge @!p0 [sflag:s0], s1  }
0x59: {  	s1 =	ssub.s32 @!p0 $0x0, s1;
	[sflag:s0] =	ssyncset.done @!p0 $0x0  }
0x5a: {  	[sflag:s0] =	ssyncadd.s32 @!p0 s1  }
0x5b: {  	[bflag:$0x3] =	sbarrier.arrive $0xFFFF  }
0x5c: {  	_ =	shalt  }

// kernel: sparse-core-data-format-call.cloned.1.call-start
scs
called_computation_lowered:
.L_overlay_start_0:
0x0: {  	s2 =	sld [smem:$0x3FD9]  }
0x1: {  	s3 =	sld [smem:$0x3FFE];
	_ =	sdelay $0x1  }
0x2: {  	s1 =	srdreg.scid  }
0x3: {  	s0 =	sand.u32 $0x1, s1  }
0x4: {  	s18 =	sshll.u32 s0, $0xA;
	s2 =	sadd.s32 s3, s2  }
0x5: {  	s2 =	sadd.s32 s2, s18  }
0x6: {  	[smem:$0x3FC6] =	sst s2  }
0x7: {  	_ = 	snop  }
0x8: {  	s2 =	sld [smem:$0x3FD0];
	(tm) =	ssettm $0x1  }
0x9: {  	s19 =	sld [smem:$0x3FFB];
	_ =	sdelay $0x3  }
0xa: {  	_ =	strace s19  }
0xb: {  	s3 =	sld [smem:$0x3FFC];
	_ =	sdelay $0x3  }
0xc: {  	_ =	strace s3  }
0xd: {  	s3 =	sld [smem:$0x3FFD];
	_ =	sdelay $0x3  }
0xe: {  	_ =	strace s3  }
0xf: {  	_ =	strace $0x8FFFFFFF  }
0x10: {  	s20 =	sld [smem:$0x3FDB];
	_ =	sdelay $0x1  }
0x11: {  	s4 =	simm.s32 $_scs_section_size  }
0x12: {  	s5 =	simm.s32 $_size__tile_overlayer_lowered;
	s6 =	simm.s32 $_tile_overlayer_lowered  }
0x13: {  	s23 =	simm.s32 $0x1BFF;
	s22 =	sshll.u32 s6, $0x1;
	s3 =	sadd.s32 s4, s20  }
0x14: {  	s7 =	simm.s32 $0x0;
	s21 =	sshll.u32 s5, $0x1;
	s5 =	sadd.s32 s22, s3  }
0x15: {  	[timem:s7], [sflag:s23] =	dma.local [hbm:s5], s21  }
0x16: {  	_ =	swait.ge [sflag:s23], s21  }
0x17: {  	s4 =	ssub.s32 $0x0, s21;
	[sflag:s23] =	ssyncset.done $0x0  }
0x18: {  	[sflag:s23] =	ssyncadd.s32 s4;
	_ =	sdelay $0x1  }
0x19: {  	s24 =	simm.s32 $0x1B8B  }
0x1a: {  	_ =	swait.ge [sflag:s24], $0x1  }
0x1b: {  	[sflag:s24] =	ssyncset.done $0x0  }
0x1c: {  	s26 =	simm.s32 $0x1B8E;
	s25 =	sld [smem:$0x3FFE];
	[sflag:s24] =	ssyncadd.s32 $0xFFFFFFFF  }
0x1d: {  	s27 =	simm.s32 $execute0_lowered;
	[smem:$0x3FD2] =	sst s26  }
0x1e: {  	s5 =	sshll.u32 s27, $0x1;
	_ =	strace $0x8000004C;
	[dreg:$0x1] =	wrdreg $0xFFFFFFFF  }
0x1f: {  	s28 =	simm.s32 $_size_execute0_lowered;
	s3 =	sadd.s32 s3, s5;
	[dreg:$0x0] =	wrdreg $0x0  }
0x20: {  	s5 =	sshll.u32 s28, $0x1;
	[dreg:$0x2] =	wrdreg s3  }
0x21: {  	[dreg:$0x3] =	wrdreg s5  }
0x22: {  	[dreg:$0x4] =	wrdreg $0xC0  }
0x23: {  	_ =	task [dreg:s7], $0x5FFFF  }
0x24: {  	[dreg:$0x1] =	wrdreg $0xFFFFFFFF  }
0x25: {  	[dreg:$0x0] =	wrdreg $0x60  }
0x26: {  	[dreg:$0x2] =	wrdreg s25  }
0x27: {  	[dreg:$0x3] =	wrdreg s2  }
0x28: {  	[dreg:$0x4] =	wrdreg $0x9  }
0x29: {  	_ =	task.clear_ibuf [dreg:s7], $0x5FFFF;
	_ =	strace $0x9000004C  }
0x2a: {  	s29 =	simm.s32 $0x9;
	_ =	strace $0x8000004E  }
0x2b: {  	_ =	swait.ge [sflag:s29], $0x1  }
0x2c: {  	[sflag:s29] =	ssyncadd.s32 $0xFFFFFFFF  }
0x2d: {  	_ =	strace $0x9000004E  }
0x2e: {  	_ =	sfence  }
0x2f: {  	s30 =	sld [smem:$0x0];
	_ =	sdelay $0x2  }
0x30: {  	s31 =	sshll.u32 s1, $0xD;
	s1 =	sshrl.u32 s1, $0x2  }
0x31: {  	s3 =	sand.u32 $0x4000, s31;
	s1 =	sadd.s32 s1, s30  }
0x32: {  	s0 =	sor.u32 s3, s0;
	s1 =	sshll.u32 s1, $0x11  }
0x33: {  	s0 =	sor.u32 s1, s0  }
0x34: {  	s0 =	sadd.s32 $0x8F2B, s0  }
0x35: {  	[sflag:s0] =	ssyncadd.remote.s32 $0x1  }
0x36: {  	_ =	sfence.sel $0xFFFF  }
0x37: {  	[dreg:$0x0] =	wrdreg $0xFFFFFFFF;
	(pc) =	sbr.abs _section_cstart, $3  }
0x38: {  	[dreg:$0x1] =	wrdreg $0xFFFFFFFF  }
0x39: {  	_ =	task.clear_ibuf [dreg:s7], $0x2FFFF;
	_ =	strace $0x9FFFFFFF  }
0x3a: {  	(tm) =	ssettm $0x7FFFFFFF  }
0x3b: {  	_ =	shalt  }
tec
execute0_lowered:
.L_overlay_start_1:
0x0: {  	(tag) =	ssettag $0x1  }
0x1: {  	s1 =	rddreg [dreg:$0x0]  }
0x2: {  	s2 =	rddreg [dreg:$0x1]  }
0x3: {  	s0 =	rddreg [dreg:$0x2];
	s4 =	srdreg.scid  }
0x4: {  	_ =	strace $0x8000004D;
	s7 =	simm.s32 $0x2;
	s15 =	simm.s32 $0x0  }
0x5: {  	p0 =	por $0x0, $0x0;
	s13 =	simm.s32 $0x0;
	s16 =	simm.s32 $0x0  }
0x6: {  	s14 =	simm.s32 $0x0;
	s9 =	simm.s32 $0x0;
	s11 =	simm.s32 $0x0  }
.Ltmp0:
0x7: {  	s3 =	sadd.s32 $0x510600, s1;
	s4 =	sshll.u32 s4, $0x4;
	(pc) =	sbr.rel .LBB1_1-.Ltmp0, $4  }
0x8: {  	s1 =	stileid.u32;
	s5 =	sand.u32 $0x10, s4;
	s4 =	simm.s32 $0x1  }
0x9: {  	s8 =	simm.s32 $0x0;
	s6 =	sor.u32 s1, s5;
	[sflag:s4] =	ssyncpa.u1 $0x0  }
0xa: {  	s5 =	sand.u32 $0x3, s1;
	s6 =	sshrl.u32 s6, $0x2;
	[sflag:s7] =	ssyncpa.u1 $0x0  }
0xb: {  	s7 =	simm.s32 $0xC00;
	s12 =	smov.u32 s5;
	s10 =	smov.u32 s6  }
.LBB1_5:
0xc: {  	s17 =	sadd.s32 $0x80, s9  }
0xd: {  	s13 =	sadd.s32 $0x8, s10;
	s18 =	smov.u32 s10;
	p2 =	sgt.s32 s17, $0x17F  }
0xe: {  	s18 =	smov.u32 @p2 s13  }
0xf: {  	s19 =	smov.u32 s11;
	s13 =	sadd.s32 $0x80, s11;
	p3 =	sgt.s32 s18, $0x7  }
0x10: {  	s19 =	smov.u32 @p3 s13  }
0x11: {  	s20 =	smov.u32 s12;
	s13 =	sadd.s32 $0x4, s12;
	p4 =	sgt.s32 s19, $0x17F  }
0x12: {  	p1 =	slt.u32 s8, $0x2;
	s20 =	smov.u32 @p4 s13  }
0x13: {  	s8 =	sadd.s32 $0x1, s8;
	s17 =	simm.s32 @p2 $0x0;
	p2 =	sgt.s32 s20, $0x2F  }
0x14: {  	s15 =	smov.u32 s9;
	s20 =	smov.u32 @p2 s5;
	p2 =	sne.s32 s8, $0x6E  }
.Ltmp1:
0x15: {  	s16 =	smov.u32 s11;
	s21 =	simm.s32 @!p1 $0x2;
	(pc) =	sbr.rel @!p2 .LBB1_6-.Ltmp1, $4  }
0x16: {  	s14 =	smov.u32 s12;
	p0 =	por !p0, !p0;
	_ =	swait.ge @!p1 [sflag:s21], $0x4000  }
0x17: {  	[sflag:s21] =	ssyncset.done @!p1 $0x0;
	s9 =	smov.u32 s17;
	s18 =	smov.u32 @p3 s6  }
0x18: {  	[sflag:s21] =	ssyncadd.s32 @!p1 $0xFFFFC000;
	s19 =	simm.s32 @p4 $0x0;
	s13 =	smov.u32 s10  }
0x19: {  	s10 =	smov.u32 s18;
	s11 =	smov.u32 s19;
	s12 =	smov.u32 s20  }
.LBB1_1:
0x1a: {  	p1 =	sgt.u32 s8, $0x6B  }
0x1b: {  	s17 =	sshrl.u32 @!p1 s10, $0x3  }
0x1c: {  	s18 =	sshll.u32 @!p1 s9, $0x3;
	s17 =	smul.u32 @!p1 $0xC00, s17  }
0x1d: {  	s19 =	sshll.u32 @!p1 s10, $0x7;
	s18 =	sand.u32 @!p1 $0xFFFFFC00, s18  }
0x1e: {  	s17 =	sadd.s32 @!p1 s17, s18;
	s18 =	sand.u32 @!p1 $0x380, s19  }
0x1f: {  	s19 =	sand.u32 @!p1 $0x7F, s9;
	s17 =	sor.u32 @!p1 s18, s17  }
0x20: {  	s18 =	sor.u32 @!p1 s19, s17  }
0x21: {  	s19 =	smulhi.u32 @!p1 $0xAAAAAAAB, s18  }
0x22: {  	s17 =	smulhi.u32 @!p1 $0xAAAAAAAB, s17  }
0x23: {  	s21 =	smul.u32 @!p1 $0x24000, s12;
	s19 =	sshrl.u32 @!p1 s19, $0x8  }
0x24: {  	s20 =	sxor.u32 @!p1 $0xFFFFFFFF, s8;
	s17 =	sshrl.u32 @!p1 s17, $0x8;
	s19 =	smul.u32 @!p1 $0x180, s19  }
0x25: {  	s22 =	smul.u32 @!p1 $0x180, s11;
	s20 =	sshll.u32 @!p1 s20, $0xE;
	s17 =	sand.u32 @!p1 $0x7, s17  }
0x26: {  	s17 =	smul.u32 @!p1 $0x30, s17;
	s18 =	ssub.s32 @!p1 s18, s19;
	s19 =	sadd.s32 @!p1 s3, s21  }
0x27: {  	s20 =	sand.u32 @!p1 $0x4000, s20;
	s19 =	sadd.s32 @!p1 s22, s19;
	s21 =	sand.u32 @!p1 $0x7, s18  }
0x28: {  	s18 =	sshrl.u32 @!p1 s18, $0x3;
	s17 =	sadd.s32 @!p1 s17, s19;
	s19 =	sshll.u32 @!p1 s21, $0x12  }
0x29: {  	s17 =	sadd.s32 @!p1 s18, s17;
	s18 =	sor.u32 @!p1 $0x80, s19;
	s19 =	simm.s32 @!p1 $0xC00  }
0x2a: {  	[tilespmem:s20], [sflag:$0x1] =	stream.strided.gather @!p1 [hbm4b:s17+s18], $0x4000, s19, s18, $0x38;
	[tilespmem:$0x10000] =	vst v63  }
0x2b: {  	p1 =	seq.s32 s8, $0x0  }
0x2c: {  	p2 =	seq.s32 @!p1 s8, $0x6D  }
0x2d: {  	p1 =	por p1, p2  }
.Ltmp2:
0x2e: {  	_ = 	snop;
	(pc) =	sbr.rel @p1 .LBB1_5-.Ltmp2, $1  }
0x2f: {  	_ =	sdelay $0x3  }
0x30: {  	s17 =	simm.s32 $0x1  }
0x31: {  	s17 =	simm.s32 @!p0 $0x0  }
0x32: {  	s17 =	sshll.u32 s17, $0xE  }
0x33: {  	s18 =	sor.u32 $0x70, s17  }
0x34: {  	v1 =	vmov s18;
	_ =	sdelay $0x1  }
0x35: {  	_ =	swait.ge [sflag:s4], $0x4000  }
0x36: {  	[sflag:s4] =	ssyncset.done $0x0  }
0x37: {  	s19 =	simm.s32 $0x0;
	[sflag:s4] =	ssyncadd.s32 $0xFFFFC000  }
0x38: {  	s17 =	sor.u32 $0x8040, s17;
	v6 =	vld.idx.msk [tilespmem:v1+s19+$0x0 ss:$0x1], $0xffff  }
0x39: {  	v0 =	vmov s17;
	v8 =	vld.idx.msk [tilespmem:v1+s19+$0xFFFFFF90 ss:$0x1], $0xffff  }
0x3a: {  	v7 =	vld.idx.msk [tilespmem:v1+s19+$0xFFFFFFA0 ss:$0x1], $0xffff  }
0x3b: {  	v5 =	vld.idx.msk [tilespmem:v1+s19+$0xFFFFFFB0 ss:$0x1], $0xffff  }
0x3c: {  	v4 =	vld.idx.msk [tilespmem:v1+s19+$0xFFFFFFC0 ss:$0x1], $0xffff  }
0x3d: {  	s31 =	sshll.u32 s8, $0xE;
	v2 =	vld.idx.msk [tilespmem:v1+s19+$0xFFFFFFD0 ss:$0x1], $0xffff  }
0x3e: {  	s17 =	sand.u32 $0x4000, s31;
	v3 =	vld.idx.msk [tilespmem:v1+s19+$0xFFFFFFE0 ss:$0x1], $0xffff;
	[tilespmem:v0+s19+$0x30 ss:$0x1] =	vst.idx.msk $0xffff, v6  }
0x3f: {  	s20 =	simm.s32 $0x400;
	s18 =	simm.s32 $0x80;
	s17 =	sor.u32 $0x8000, s17;
	[tilespmem:v0+s19+$0xFFFFFFC0 ss:$0x1] =	vst.idx.msk $0xffff, v8;
	v6 =	vld.idx.msk [tilespmem:v1+s19+$0xFFFFFFF0 ss:$0x1], $0xffff  }
.LBB1_3:
0x40: {  	p1 =	sne.s32 s20, $0xFE00;
	v8 =	vld.idx.msk [tilespmem:v1+s18+$0x0 ss:$0x1], $0xffff;
	[tilespmem:v0+s19+$0xFFFFFFD0 ss:$0x1] =	vst.idx.msk $0xffff, v7  }
0x41: {  	v9 =	vld.idx.msk [tilespmem:v1+s18+$0xFFFFFF90 ss:$0x1], $0xffff;
	[tilespmem:v0+s19+$0xFFFFFFE0 ss:$0x1] =	vst.idx.msk $0xffff, v5  }
0x42: {  	v7 =	vld.idx.msk [tilespmem:v1+s18+$0xFFFFFFA0 ss:$0x1], $0xffff;
	[tilespmem:v0+s19+$0xFFFFFFF0 ss:$0x1] =	vst.idx.msk $0xffff, v4  }
.Ltmp3:
0x43: {  	v5 =	vld.idx.msk [tilespmem:v1+s18+$0xFFFFFFB0 ss:$0x1], $0xffff;
	[tilespmem:v0+s19+$0x0 ss:$0x1] =	vst.idx.msk $0xffff, v2;
	(pc) =	sbr.rel @p1 .LBB1_3-.Ltmp3, $4  }
0x44: {  	v4 =	vld.idx.msk [tilespmem:v1+s18+$0xFFFFFFC0 ss:$0x1], $0xffff;
	[tilespmem:v0+s19+$0x10 ss:$0x1] =	vst.idx.msk $0xffff, v3  }
0x45: {  	v2 =	vld.idx.msk [tilespmem:v1+s18+$0xFFFFFFD0 ss:$0x1], $0xffff;
	[tilespmem:v0+s19+$0x20 ss:$0x1] =	vst.idx.msk $0xffff, v6;
	s19 =	smov.u32 s18  }
0x46: {  	v3 =	vld.idx.msk [tilespmem:v1+s19+$0xFFFFFFE0 ss:$0x1], $0xffff;
	[tilespmem:v0+s19+$0x30 ss:$0x1] =	vst.idx.msk $0xffff, v8  }
0x47: {  	s18 =	sshra.s32 s20, $0x2;
	s20 =	sadd.s32 $0x200, s20;
	[tilespmem:v0+s19+$0xFFFFFFC0 ss:$0x1] =	vst.idx.msk $0xffff, v9;
	v6 =	vld.idx.msk [tilespmem:v1+s19+$0xFFFFFFF0 ss:$0x1], $0xffff  }
0x48: {  	s20 =	sshrl.u32 s16, $0x3  }
0x49: {  	s21 =	sshll.u32 s15, $0x3;
	s20 =	smul.u32 $0xC00, s20  }
0x4a: {  	s26 =	sshll.u32 s16, $0x7;
	s21 =	sand.u32 $0xFFFFFC00, s21  }
0x4b: {  	s16 =	sand.u32 $0x380, s26;
	s20 =	sadd.s32 s20, s21  }
0x4c: {  	[tilespmem:v0+s19+$0xFFFFFFD0 ss:$0x1] =	vst.idx.msk $0xffff, v7;
	s27 =	sand.u32 $0x7F, s15;
	s16 =	sor.u32 s16, s20  }
0x4d: {  	v56 =	vld.idx.msk [tilespmem:v1+s18+$0x0 ss:$0x1], $0xffff;
	[tilespmem:v0+s19+$0xFFFFFFE0 ss:$0x1] =	vst.idx.msk $0xffff, v5;
	s15 =	sor.u32 s27, s16;
	s16 =	smulhi.u32 $0xAAAAAAAB, s16  }
0x4e: {  	v57 =	vld.idx.msk [tilespmem:v1+s18+$0xFFFFFF90 ss:$0x1], $0xffff;
	[tilespmem:v0+s19+$0xFFFFFFF0 ss:$0x1] =	vst.idx.msk $0xffff, v4  }
0x4f: {  	v58 =	vld.idx.msk [tilespmem:v1+s18+$0xFFFFFFA0 ss:$0x1], $0xffff;
	s14 =	smul.u32 $0x24000, s14;
	[tilespmem:v0+s19+$0x0 ss:$0x1] =	vst.idx.msk $0xffff, v2;
	s16 =	sshrl.u32 s16, $0x8  }
0x50: {  	v59 =	vld.idx.msk [tilespmem:v1+s18+$0xFFFFFFB0 ss:$0x1], $0xffff;
	[tilespmem:v0+s19+$0x10 ss:$0x1] =	vst.idx.msk $0xffff, v3;
	s30 =	smulhi.u32 $0xAAAAAB, s16  }
0x51: {  	v60 =	vld.idx.msk [tilespmem:v1+s18+$0xFFFFFFC0 ss:$0x1], $0xffff;
	[tilespmem:v0+s19+$0x20 ss:$0x1] =	vst.idx.msk $0xffff, v6;
	s28 =	smulhi.u32 $0xAAAAAAAB, s15  }
0x52: {  	v61 =	vld.idx.msk [tilespmem:v1+s18+$0xFFFFFFD0 ss:$0x1], $0xffff;
	[tilespmem:v0+s18+$0x30 ss:$0x1] =	vst.idx.msk $0xffff, v56;
	s20 =	smul.u32 $0x180, s30  }
0x53: {  	v62 =	vld.idx.msk [tilespmem:v1+s18+$0xFFFFFFE0 ss:$0x1], $0xffff;
	s13 =	smul.u32 $0x4800, s13;
	[tilespmem:v0+s18+$0xFFFFFFC0 ss:$0x1] =	vst.idx.msk $0xffff, v57;
	s29 =	sshrl.u32 s28, $0x8  }
0x54: {  	v63 =	vld.idx.msk [tilespmem:v1+s18+$0xFFFFFFF0 ss:$0x1], $0xffff;
	[tilespmem:v0+s18+$0xFFFFFFD0 ss:$0x1] =	vst.idx.msk $0xffff, v58;
	s19 =	smul.u32 $0x180, s29;
	s16 =	ssub.s32 s16, s20  }
0x55: {  	[tilespmem:v0+s18+$0xFFFFFFE0 ss:$0x1] =	vst.idx.msk $0xffff, v59;
	s16 =	smul.u32 $0x30, s16  }
.Ltmp4:
0x56: {  	s14 =	sadd.s32 s2, s14;
	[tilespmem:v0+s18+$0xFFFFFFF0 ss:$0x1] =	vst.idx.msk $0xffff, v60;
	s15 =	ssub.s32 s15, s19;
	(pc) =	sbr.rel .LBB1_5-.Ltmp4, $4  }
0x57: {  	s13 =	sadd.s32 s13, s14;
	[tilespmem:v0+s18+$0x0 ss:$0x1] =	vst.idx.msk $0xffff, v61;
	s31 =	sand.u32 $0x7, s15  }
0x58: {  	[tilespmem:v0+s18+$0x10 ss:$0x1] =	vst.idx.msk $0xffff, v62;
	s15 =	sshrl.u32 s15, $0x3;
	s14 =	sshll.u32 s31, $0x12;
	s13 =	sadd.s32 s16, s13  }
0x59: {  	[tilespmem:v0+s18+$0x20 ss:$0x1] =	vst.idx.msk $0xffff, v63;
	s14 =	sor.u32 $0x400, s14;
	s13 =	sadd.s32 s15, s13  }
0x5a: {  	[hbm4b:s13+s14] =	stream.strided.scatter [tilespmem:s17], [sflag:$0x2], $0x4000, s7, s14, $0x38;
	[tilespmem:$0x10000] =	vst v63  }
.LBB1_6:
0x5b: {  	_ =	sfence.sel $0x180000  }
0x5c: {  	s2 =	simm.s32 $0x1;
	[bflag:$0x0] =	sbarrier.arrive $0xFFFF  }
0x5d: {  	s31 =	simm.s32 $0x2;
	[sflag:s2] =	ssyncpa.u1 $0x1  }
0x5e: {  	[sflag:s31] =	ssyncpa.u1 $0x1  }
0x5f: {  	p0 =	sne.s32 s1, $0x0;
	_ =	strace $0x9000004D  }
0x60: {  	s0 =	sadd.s32 @!p0 $0x100000, s0;
	[bflag:$0x2] =	sbarrier.arrive $0xFFFF  }
0x61: {  	[sflag:s0] =	ssyncadd.tile.s32 @!p0 $0x1;
	_ =	shalt  }
.Lfunc_end1:
_tile_overlayer_lowered:
.L_overlay_start_2:
0x62: {  	(tag) =	ssettag $0x2  }
0x63: {  	s0 =	rddreg [dreg:$0x0];
	s2 =	stileid.u32  }
0x64: {  	s1 =	rddreg [dreg:$0x1];
	p0 =	sne.s32 s2, $0x0  }
0x65: {  	s3 =	rddreg [dreg:$0x2];
	[bflag:$0x3] =	sbarrier.arrive $0xFFFF;
	s2 =	simm.s32 @!p0 $0x1C01  }
0x66: {  	[timem:s3], [sflag:s2] =	dma.local @!p0 [hbm:s0], s1  }
0x67: {  	s0 =	simm.s32 @!p0 $0x1  }
0x68: {  	_ =	swait.ge @!p0 [sflag:s0], s1  }
0x69: {  	s1 =	ssub.s32 @!p0 $0x0, s1;
	[sflag:s0] =	ssyncset.done @!p0 $0x0  }
0x6a: {  	[sflag:s0] =	ssyncadd.s32 @!p0 s1  }
0x6b: {  	[bflag:$0x3] =	sbarrier.arrive $0xFFFF  }
0x6c: {  	_ =	shalt  }

</sc_bundles>
